<compile_context>
chip_gen: v7x
topology: tpu7x:2x2x1
jax: 0.10.2.dev20260603
libtpu: 0.0.44.dev20260713+nightly
codegen_flags: <defaults>
</compile_context>

<pallas_src>
import functools

import jax
import jax.numpy as jnp
from jax import lax
from jax.experimental import pallas as pl
from jax.experimental.pallas import tpu as pltpu
from jax.experimental.pallas import tpu_sc as plsc

N_INTER = 2097152
N_COLS_ = 4
N_DELTA = 4096

NC = 2
NS = 16
NW = NC * NS
PER_W = N_INTER // NW
CHUNK = 8192
NCHUNK = PER_W // CHUNK
LANES = 16
VECS = CHUNK // LANES
NBUF = 2
NGROUP = NCHUNK // NBUF

_mesh = plsc.VectorSubcoreMesh(core_axis_name="c", subcore_axis_name="s")


@functools.partial(
    pl.kernel,
    mesh=_mesh,
    out_type=[jax.ShapeDtypeStruct((N_INTER,), jnp.float32)] * N_COLS_,
    compiler_params=pltpu.CompilerParams(needs_layout_passes=False),
    scratch_types=[
        pltpu.VMEM((N_DELTA,), jnp.float32),
        [pltpu.VMEM((CHUNK,), jnp.int32)] * NBUF,
        [pltpu.VMEM((CHUNK,), jnp.float32)] * NBUF,
        [pltpu.VMEM((CHUNK,), jnp.float32)] * NBUF,
        [pltpu.SemaphoreType.DMA] * NBUF,
        [pltpu.SemaphoreType.DMA] * NBUF,
    ],
)
def _sc_gather_add(
    hp0, hp1, hp2, hp3, idx0, idx1, idx2, idx3, delta_hbm,
    out0, out1, out2, out3,
    delta_v, idx_v, val_v, res_v, sems_in, sems_out,
):
    wid = lax.axis_index("s") * NC + lax.axis_index("c")
    base = wid * PER_W
    pltpu.sync_copy(delta_hbm, delta_v)

    for hp_hbm, idx_hbm, out_hbm in (
        (hp0, idx0, out0),
        (hp1, idx1, out1),
        (hp2, idx2, out2),
        (hp3, idx3, out3),
    ):
        def start_in(g, b):
            off = base + g * CHUNK
            pltpu.async_copy(idx_hbm.at[pl.ds(off, CHUNK)], idx_v[b], sems_in[b])
            pltpu.async_copy(hp_hbm.at[pl.ds(off, CHUNK)], val_v[b], sems_in[b])

        def wait_in(b):
            pltpu.make_async_copy(idx_hbm.at[pl.ds(base, CHUNK)], idx_v[b], sems_in[b]).wait()
            pltpu.make_async_copy(hp_hbm.at[pl.ds(base, CHUNK)], val_v[b], sems_in[b]).wait()

        def start_out(g, b):
            off = base + g * CHUNK
            pltpu.async_copy(res_v[b], out_hbm.at[pl.ds(off, CHUNK)], sems_out[b])

        def wait_out(b):
            pltpu.make_async_copy(res_v[b], out_hbm.at[pl.ds(base, CHUNK)], sems_out[b]).wait()

        for b in range(NBUF):
            start_in(b, b)

        def group_body(G, carry):
            g0 = G * NBUF
            for b in range(NBUF):
                g = g0 + b
                wait_in(b)

                @pl.when(G > 0)
                def _():
                    wait_out(b)

                ib, vb, rb = idx_v[b], val_v[b], res_v[b]

                @plsc.parallel_loop(0, VECS, unroll=8)
                def vec_body(i):
                    s = pl.ds(i * LANES, LANES)
                    rb[s] = vb[s] + plsc.load_gather(delta_v, [ib[s]])

                start_out(g, b)

                @pl.when(g + NBUF < NCHUNK)
                def _():
                    start_in(g + NBUF, b)
            return carry

        lax.fori_loop(0, NGROUP, group_body, 0)
        for b in range(NBUF):
            wait_out(b)


def kernel(handler_parameters, handler_parameter_idx, parameter_delta):
    hp_cols = [handler_parameters[:, c] for c in range(N_COLS_)]
    idx_cols = [handler_parameter_idx[:, c] for c in range(N_COLS_)]
    outs = _sc_gather_add(*hp_cols, *idx_cols, parameter_delta)
    return jnp.stack(outs, axis=1)

# --- scband reference (transcript-rebuilt; emitter-appended) ---
"""Pipeline reference for scband-smirnoffmodel-6579889898165 (READ-ONLY COPY).

The authoritative reference and input builder live on the scoring server;
editing this copy changes nothing except your own understanding.
"""

import jax, jax.numpy as jnp
import numpy as np

N_INTERACTIONS = 2097152
N_COLS = 4
N_DELTAS = 4096


def setup_inputs(seed: int = 0) -> dict:
    key = jax.random.key(seed)
    k1, k2, k3 = jax.random.split(key, 3)
    handler_parameters = jax.random.normal(k1, (N_INTERACTIONS, N_COLS), dtype=jnp.float32)
    handler_parameter_idx = jax.random.randint(k2, (N_INTERACTIONS, N_COLS), 0, N_DELTAS, dtype=jnp.int32)
    # learned parameter: self.parameter_delta (initialized ~0 in the module; small noise here)
    parameter_delta = jax.random.normal(k3, (N_DELTAS,), dtype=jnp.float32) * 0.01
    return {
        "handler_parameters": handler_parameters,
        "handler_parameter_idx": handler_parameter_idx,
        "parameter_delta": parameter_delta,
    }


def reference(handler_parameters, handler_parameter_idx, parameter_delta):
    # SMIRNOFFModel.forward, vectorized single-handler form:
    #   handler_delta = self.parameter_delta[handler_delta_indices]
    #   (here a single handler owns a contiguous block, so the index-select is the
    #    full delta vector, i.e. an identity gather over the handler's slice)
    handler_delta = jnp.take(parameter_delta, jnp.arange(parameter_delta.shape[0]), axis=0)
    # add_parameter_delta: each (interaction, attribute) entry maps (via its
    # PotentialKey/attribute id) to one trainable delta; perturbed = params + delta[map]
    perturbed_parameters = handler_parameters + jnp.take(handler_delta, handler_parameter_idx, axis=0)
    return perturbed_parameters

if __name__ == "__main__":
    import jax
    _d = setup_inputs()
    print(jax.jit(kernel)(*tuple(_d.values())))

</pallas_src>

<mosaic_0001>
#map = affine_map<(d0, d1) -> (0)>
module attributes {stable_mosaic.version = 14 : i64} {
  func.func @_sc_gather_add(%arg0: i32, %arg1: i32, %arg2: memref<2097152xf32, #tpu.memory_space<hbm>>, %arg3: memref<2097152xf32, #tpu.memory_space<hbm>>, %arg4: memref<2097152xf32, #tpu.memory_space<hbm>>, %arg5: memref<2097152xf32, #tpu.memory_space<hbm>>, %arg6: memref<2097152xi32, #tpu.memory_space<hbm>>, %arg7: memref<2097152xi32, #tpu.memory_space<hbm>>, %arg8: memref<2097152xi32, #tpu.memory_space<hbm>>, %arg9: memref<2097152xi32, #tpu.memory_space<hbm>>, %arg10: memref<4096xf32, #tpu.memory_space<hbm>>, %arg11: memref<2097152xf32, #tpu.memory_space<hbm>>, %arg12: memref<2097152xf32, #tpu.memory_space<hbm>>, %arg13: memref<2097152xf32, #tpu.memory_space<hbm>>, %arg14: memref<2097152xf32, #tpu.memory_space<hbm>>, %arg15: memref<4096xf32, #tpu.memory_space<vmem>>, %arg16: memref<8192xi32, #tpu.memory_space<vmem>>, %arg17: memref<8192xi32, #tpu.memory_space<vmem>>, %arg18: memref<8192xf32, #tpu.memory_space<vmem>>, %arg19: memref<8192xf32, #tpu.memory_space<vmem>>, %arg20: memref<8192xf32, #tpu.memory_space<vmem>>, %arg21: memref<8192xf32, #tpu.memory_space<vmem>>, %arg22: memref<!tpu.dma_semaphore, #tpu.memory_space<semaphore_mem>>, %arg23: memref<!tpu.dma_semaphore, #tpu.memory_space<semaphore_mem>>, %arg24: memref<!tpu.dma_semaphore, #tpu.memory_space<semaphore_mem>>, %arg25: memref<!tpu.dma_semaphore, #tpu.memory_space<semaphore_mem>>) attributes {dimension_semantics = [#tpu.dimension_semantics<core_parallel>, #tpu.dimension_semantics<subcore_parallel>], iteration_bounds = array<i64: 2, 16>, scalar_prefetch = 0 : i64, scratch_operands = 11 : i64, tpu.core_type = #tpu.core_type<sc_vector_subcore>, window_params = [{transform_indices = #map}, {transform_indices = #map}, {transform_indices = #map}, {transform_indices = #map}, {transform_indices = #map}, {transform_indices = #map}, {transform_indices = #map}, {transform_indices = #map}, {transform_indices = #map}, {transform_indices = #map}, {transform_indices = #map}, {transform_indices = #map}, {transform_indices = #map}]} {
    %mul3A = arith.constant 2 : i32
    %mul3A_0 = arith.muli %arg1, %mul3A : i32
    %add3A = arith.addi %mul3A_0, %arg0 : i32
    %mul3A_1 = arith.constant 65536 : i32
    %mul3A_2 = arith.muli %add3A, %mul3A_1 : i32
    "tpu.region"() ({
      %run_scoped3A = tpu.sem_alloc : memref<!tpu.dma_semaphore, #tpu.memory_space<semaphore_mem>>
      tpu.enqueue_dma source(%arg10 : memref<4096xf32, #tpu.memory_space<hbm>>) target(%arg15 : memref<4096xf32, #tpu.memory_space<vmem>>) target_semaphore(%run_scoped3A : memref<!tpu.dma_semaphore, #tpu.memory_space<semaphore_mem>>)
      tpu.wait_dma2 semaphore(%run_scoped3A : memref<!tpu.dma_semaphore, #tpu.memory_space<semaphore_mem>>) src(%arg10 : memref<4096xf32, #tpu.memory_space<hbm>>) dst(%arg15 : memref<4096xf32, #tpu.memory_space<vmem>>)
      tpu.yield
    }) : () -> ()
    %add3A_3 = arith.constant 0 : i32
    %add3A_4 = arith.addi %mul3A_2, %add3A_3 : i32
    %dma_start3A = tpu.memref_slice %arg6[%add3A_4] : memref<2097152xi32, #tpu.memory_space<hbm>> -> memref<8192xi32, #tpu.memory_space<hbm>>
    %dma_start3A_5 = tpu.memref_slice %arg6[%add3A_4] : memref<2097152xi32, #tpu.memory_space<hbm>> -> memref<8192xi32, #tpu.memory_space<hbm>>
    tpu.enqueue_dma source(%dma_start3A_5 : memref<8192xi32, #tpu.memory_space<hbm>>) target(%arg16 : memref<8192xi32, #tpu.memory_space<vmem>>) target_semaphore(%arg22 : memref<!tpu.dma_semaphore, #tpu.memory_space<semaphore_mem>>)
    %dma_start3A_6 = tpu.memref_slice %arg2[%add3A_4] : memref<2097152xf32, #tpu.memory_space<hbm>> -> memref<8192xf32, #tpu.memory_space<hbm>>
    %dma_start3A_7 = tpu.memref_slice %arg2[%add3A_4] : memref<2097152xf32, #tpu.memory_space<hbm>> -> memref<8192xf32, #tpu.memory_space<hbm>>
    tpu.enqueue_dma source(%dma_start3A_7 : memref<8192xf32, #tpu.memory_space<hbm>>) target(%arg18 : memref<8192xf32, #tpu.memory_space<vmem>>) target_semaphore(%arg22 : memref<!tpu.dma_semaphore, #tpu.memory_space<semaphore_mem>>)
    %add3A_8 = arith.constant 8192 : i32
    %add3A_9 = arith.addi %mul3A_2, %add3A_8 : i32
    %dma_start3A_10 = tpu.memref_slice %arg6[%add3A_9] : memref<2097152xi32, #tpu.memory_space<hbm>> -> memref<8192xi32, #tpu.memory_space<hbm>>
    %dma_start3A_11 = tpu.memref_slice %arg6[%add3A_9] : memref<2097152xi32, #tpu.memory_space<hbm>> -> memref<8192xi32, #tpu.memory_space<hbm>>
    tpu.enqueue_dma source(%dma_start3A_11 : memref<8192xi32, #tpu.memory_space<hbm>>) target(%arg17 : memref<8192xi32, #tpu.memory_space<vmem>>) target_semaphore(%arg23 : memref<!tpu.dma_semaphore, #tpu.memory_space<semaphore_mem>>)
    %dma_start3A_12 = tpu.memref_slice %arg2[%add3A_9] : memref<2097152xf32, #tpu.memory_space<hbm>> -> memref<8192xf32, #tpu.memory_space<hbm>>
    %dma_start3A_13 = tpu.memref_slice %arg2[%add3A_9] : memref<2097152xf32, #tpu.memory_space<hbm>> -> memref<8192xf32, #tpu.memory_space<hbm>>
    tpu.enqueue_dma source(%dma_start3A_13 : memref<8192xf32, #tpu.memory_space<hbm>>) target(%arg19 : memref<8192xf32, #tpu.memory_space<vmem>>) target_semaphore(%arg23 : memref<!tpu.dma_semaphore, #tpu.memory_space<semaphore_mem>>)
    %scan3A = arith.constant 0 : i32
    %scan3A_14 = arith.constant 0 : i32
    %scan3A_15 = arith.constant 4 : i32
    %scan3A_16 = arith.addi %scan3A_14, %scan3A_15 : i32
    %scan3A_17 = arith.constant 1 : i32
    scf.for %scan3A_88 = %scan3A_14 to %scan3A_16 step %scan3A_17  : i32 {
      %mul3A_89 = arith.constant 2 : i32
      %mul3A_90 = arith.muli %scan3A_88, %mul3A_89 : i32
      %add3A_91 = arith.constant 0 : i32
      %add3A_92 = arith.addi %mul3A_90, %add3A_91 : i32
      %dma_wait3A_93 = tpu.memref_slice %arg6[%mul3A_2] : memref<2097152xi32, #tpu.memory_space<hbm>> -> memref<8192xi32, #tpu.memory_space<hbm>>
      %dma_wait3A_94 = tpu.memref_slice %arg6[%mul3A_2] : memref<2097152xi32, #tpu.memory_space<hbm>> -> memref<8192xi32, #tpu.memory_space<hbm>>
      tpu.wait_dma2 semaphore(%arg22 : memref<!tpu.dma_semaphore, #tpu.memory_space<semaphore_mem>>) src(%dma_wait3A_94 : memref<8192xi32, #tpu.memory_space<hbm>>) dst(%arg16 : memref<8192xi32, #tpu.memory_space<vmem>>)
      %dma_wait3A_95 = tpu.memref_slice %arg2[%mul3A_2] : memref<2097152xf32, #tpu.memory_space<hbm>> -> memref<8192xf32, #tpu.memory_space<hbm>>
      %dma_wait3A_96 = tpu.memref_slice %arg2[%mul3A_2] : memref<2097152xf32, #tpu.memory_space<hbm>> -> memref<8192xf32, #tpu.memory_space<hbm>>
      tpu.wait_dma2 semaphore(%arg22 : memref<!tpu.dma_semaphore, #tpu.memory_space<semaphore_mem>>) src(%dma_wait3A_96 : memref<8192xf32, #tpu.memory_space<hbm>>) dst(%arg18 : memref<8192xf32, #tpu.memory_space<vmem>>)
      %gt3A = arith.constant 0 : i32
      %gt3A_97 = arith.cmpi sgt, %scan3A_88, %gt3A : i32
      %convert_element_type3A = arith.extui %gt3A_97 : i1 to i32
      %cond3A = arith.constant 0 : i32
      %cond3A_98 = arith.cmpi ne, %convert_element_type3A, %cond3A : i32
      scf.if %cond3A_98 {
        %dma_wait3A_138 = tpu.memref_slice %arg11[%mul3A_2] : memref<2097152xf32, #tpu.memory_space<hbm>> -> memref<8192xf32, #tpu.memory_space<hbm>>
        %dma_wait3A_139 = tpu.memref_slice %arg11[%mul3A_2] : memref<2097152xf32, #tpu.memory_space<hbm>> -> memref<8192xf32, #tpu.memory_space<hbm>>
        tpu.wait_dma2 semaphore(%arg24 : memref<!tpu.dma_semaphore, #tpu.memory_space<semaphore_mem>>) src(%arg20 : memref<8192xf32, #tpu.memory_space<vmem>>) dst(%dma_wait3A_139 : memref<8192xf32, #tpu.memory_space<hbm>>)
      } else {
      }
      %parallel_loop3A = arith.constant 0 : i32
      %parallel_loop3A_99 = arith.constant 512 : i32
      %parallel_loop3A_100 = arith.constant 1 : i32
      scf.for %parallel_loop3A_138 = %parallel_loop3A to %parallel_loop3A_99 step %parallel_loop3A_100  : i32 {
        %parallel_loop3A_139 = arith.constant 16 : i32
        %parallel_loop3A_140 = arith.muli %parallel_loop3A_138, %parallel_loop3A_139 : i32
        %parallel_loop3A_141 = arith.index_cast %parallel_loop3A_140 : i32 to index
        %parallel_loop3A_142 = tpu.vector_load %arg18[%parallel_loop3A_141] {strides = array<i32>} : memref<8192xf32, #tpu.memory_space<vmem>>, vector<16xf32>,
        %parallel_loop3A_143 = arith.index_cast %parallel_loop3A_140 : i32 to index
        %parallel_loop3A_144 = tpu.vector_load %arg16[%parallel_loop3A_143] {strides = array<i32>} : memref<8192xi32, #tpu.memory_space<vmem>>, vector<16xi32>,
        %parallel_loop3A_145 = tpu.vector_load_idx %arg15[%parallel_loop3A_144] : memref<4096xf32, #tpu.memory_space<vmem>>[vector<16xi32>], vector<16xf32>,
        %parallel_loop3A_146 = arith.addf %parallel_loop3A_142, %parallel_loop3A_145 : vector<16xf32>
        %parallel_loop3A_147 = arith.index_cast %parallel_loop3A_140 : i32 to index
        %parallel_loop3A_148 = tpu.vector_load %arg20[%parallel_loop3A_147] {strides = array<i32>} : memref<8192xf32, #tpu.memory_space<vmem>>, vector<16xf32>,
        tpu.vector_store %arg20[%parallel_loop3A_147], %parallel_loop3A_146 {strides = array<i32>} : memref<8192xf32, #tpu.memory_space<vmem>>, vector<16xf32>,
      } {sc.loop_unroll_factor = 8 : i64, sc.parallel_access}
      %mul3A_101 = arith.constant 8192 : i32
      %mul3A_102 = arith.muli %add3A_92, %mul3A_101 : i32
      %add3A_103 = arith.addi %mul3A_2, %mul3A_102 : i32
      %dma_start3A_104 = tpu.memref_slice %arg11[%add3A_103] : memref<2097152xf32, #tpu.memory_space<hbm>> -> memref<8192xf32, #tpu.memory_space<hbm>>
      %dma_start3A_105 = tpu.memref_slice %arg11[%add3A_103] : memref<2097152xf32, #tpu.memory_space<hbm>> -> memref<8192xf32, #tpu.memory_space<hbm>>
      tpu.enqueue_dma source(%arg20 : memref<8192xf32, #tpu.memory_space<vmem>>) target(%dma_start3A_105 : memref<8192xf32, #tpu.memory_space<hbm>>) target_semaphore(%arg24 : memref<!tpu.dma_semaphore, #tpu.memory_space<semaphore_mem>>)
      %add3A_106 = arith.constant 2 : i32
      %add3A_107 = arith.addi %add3A_92, %add3A_106 : i32
      %lt3A = arith.constant 8 : i32
      %lt3A_108 = arith.cmpi slt, %add3A_107, %lt3A : i32
      %convert_element_type3A_109 = arith.extui %lt3A_108 : i1 to i32
      %cond3A_110 = arith.constant 0 : i32
      %cond3A_111 = arith.cmpi ne, %convert_element_type3A_109, %cond3A_110 : i32
      scf.if %cond3A_111 {
        %add3A_138 = arith.constant 2 : i32
        %add3A_139 = arith.addi %add3A_92, %add3A_138 : i32
        %mul3A_140 = arith.constant 8192 : i32
        %mul3A_141 = arith.muli %add3A_139, %mul3A_140 : i32
        %add3A_142 = arith.addi %mul3A_2, %mul3A_141 : i32
        %dma_start3A_143 = tpu.memref_slice %arg6[%add3A_142] : memref<2097152xi32, #tpu.memory_space<hbm>> -> memref<8192xi32, #tpu.memory_space<hbm>>
        %dma_start3A_144 = tpu.memref_slice %arg6[%add3A_142] : memref<2097152xi32, #tpu.memory_space<hbm>> -> memref<8192xi32, #tpu.memory_space<hbm>>
        tpu.enqueue_dma source(%dma_start3A_144 : memref<8192xi32, #tpu.memory_space<hbm>>) target(%arg16 : memref<8192xi32, #tpu.memory_space<vmem>>) target_semaphore(%arg22 : memref<!tpu.dma_semaphore, #tpu.memory_space<semaphore_mem>>)
        %dma_start3A_145 = tpu.memref_slice %arg2[%add3A_142] : memref<2097152xf32, #tpu.memory_space<hbm>> -> memref<8192xf32, #tpu.memory_space<hbm>>
        %dma_start3A_146 = tpu.memref_slice %arg2[%add3A_142] : memref<2097152xf32, #tpu.memory_space<hbm>> -> memref<8192xf32, #tpu.memory_space<hbm>>
        tpu.enqueue_dma source(%dma_start3A_146 : memref<8192xf32, #tpu.memory_space<hbm>>) target(%arg18 : memref<8192xf32, #tpu.memory_space<vmem>>) target_semaphore(%arg22 : memref<!tpu.dma_semaphore, #tpu.memory_space<semaphore_mem>>)
      } else {
      }
      %add3A_112 = arith.constant 1 : i32
      %add3A_113 = arith.addi %mul3A_90, %add3A_112 : i32
      %dma_wait3A_114 = tpu.memref_slice %arg6[%mul3A_2] : memref<2097152xi32, #tpu.memory_space<hbm>> -> memref<8192xi32, #tpu.memory_space<hbm>>
      %dma_wait3A_115 = tpu.memref_slice %arg6[%mul3A_2] : memref<2097152xi32, #tpu.memory_space<hbm>> -> memref<8192xi32, #tpu.memory_space<hbm>>
      tpu.wait_dma2 semaphore(%arg23 : memref<!tpu.dma_semaphore, #tpu.memory_space<semaphore_mem>>) src(%dma_wait3A_115 : memref<8192xi32, #tpu.memory_space<hbm>>) dst(%arg17 : memref<8192xi32, #tpu.memory_space<vmem>>)
      %dma_wait3A_116 = tpu.memref_slice %arg2[%mul3A_2] : memref<2097152xf32, #tpu.memory_space<hbm>> -> memref<8192xf32, #tpu.memory_space<hbm>>
      %dma_wait3A_117 = tpu.memref_slice %arg2[%mul3A_2] : memref<2097152xf32, #tpu.memory_space<hbm>> -> memref<8192xf32, #tpu.memory_space<hbm>>
      tpu.wait_dma2 semaphore(%arg23 : memref<!tpu.dma_semaphore, #tpu.memory_space<semaphore_mem>>) src(%dma_wait3A_117 : memref<8192xf32, #tpu.memory_space<hbm>>) dst(%arg19 : memref<8192xf32, #tpu.memory_space<vmem>>)
      %gt3A_118 = arith.constant 0 : i32
      %gt3A_119 = arith.cmpi sgt, %scan3A_88, %gt3A_118 : i32
      %convert_element_type3A_120 = arith.extui %gt3A_119 : i1 to i32
      %cond3A_121 = arith.constant 0 : i32
      %cond3A_122 = arith.cmpi ne, %convert_element_type3A_120, %cond3A_121 : i32
      scf.if %cond3A_122 {
        %dma_wait3A_138 = tpu.memref_slice %arg11[%mul3A_2] : memref<2097152xf32, #tpu.memory_space<hbm>> -> memref<8192xf32, #tpu.memory_space<hbm>>
        %dma_wait3A_139 = tpu.memref_slice %arg11[%mul3A_2] : memref<2097152xf32, #tpu.memory_space<hbm>> -> memref<8192xf32, #tpu.memory_space<hbm>>
        tpu.wait_dma2 semaphore(%arg25 : memref<!tpu.dma_semaphore, #tpu.memory_space<semaphore_mem>>) src(%arg21 : memref<8192xf32, #tpu.memory_space<vmem>>) dst(%dma_wait3A_139 : memref<8192xf32, #tpu.memory_space<hbm>>)
      } else {
      }
      %parallel_loop3A_123 = arith.constant 0 : i32
      %parallel_loop3A_124 = arith.constant 512 : i32
      %parallel_loop3A_125 = arith.constant 1 : i32
      scf.for %parallel_loop3A_138 = %parallel_loop3A_123 to %parallel_loop3A_124 step %parallel_loop3A_125  : i32 {
        %parallel_loop3A_139 = arith.constant 16 : i32
        %parallel_loop3A_140 = arith.muli %parallel_loop3A_138, %parallel_loop3A_139 : i32
        %parallel_loop3A_141 = arith.index_cast %parallel_loop3A_140 : i32 to index
        %parallel_loop3A_142 = tpu.vector_load %arg19[%parallel_loop3A_141] {strides = array<i32>} : memref<8192xf32, #tpu.memory_space<vmem>>, vector<16xf32>,
        %parallel_loop3A_143 = arith.index_cast %parallel_loop3A_140 : i32 to index
        %parallel_loop3A_144 = tpu.vector_load %arg17[%parallel_loop3A_143] {strides = array<i32>} : memref<8192xi32, #tpu.memory_space<vmem>>, vector<16xi32>,
        %parallel_loop3A_145 = tpu.vector_load_idx %arg15[%parallel_loop3A_144] : memref<4096xf32, #tpu.memory_space<vmem>>[vector<16xi32>], vector<16xf32>,
        %parallel_loop3A_146 = arith.addf %parallel_loop3A_142, %parallel_loop3A_145 : vector<16xf32>
        %parallel_loop3A_147 = arith.index_cast %parallel_loop3A_140 : i32 to index
        %parallel_loop3A_148 = tpu.vector_load %arg21[%parallel_loop3A_147] {strides = array<i32>} : memref<8192xf32, #tpu.memory_space<vmem>>, vector<16xf32>,
        tpu.vector_store %arg21[%parallel_loop3A_147], %parallel_loop3A_146 {strides = array<i32>} : memref<8192xf32, #tpu.memory_space<vmem>>, vector<16xf32>,
      } {sc.loop_unroll_factor = 8 : i64, sc.parallel_access}
      %mul3A_126 = arith.constant 8192 : i32
      %mul3A_127 = arith.muli %add3A_113, %mul3A_126 : i32
      %add3A_128 = arith.addi %mul3A_2, %mul3A_127 : i32
      %dma_start3A_129 = tpu.memref_slice %arg11[%add3A_128] : memref<2097152xf32, #tpu.memory_space<hbm>> -> memref<8192xf32, #tpu.memory_space<hbm>>
      %dma_start3A_130 = tpu.memref_slice %arg11[%add3A_128] : memref<2097152xf32, #tpu.memory_space<hbm>> -> memref<8192xf32, #tpu.memory_space<hbm>>
      tpu.enqueue_dma source(%arg21 : memref<8192xf32, #tpu.memory_space<vmem>>) target(%dma_start3A_130 : memref<8192xf32, #tpu.memory_space<hbm>>) target_semaphore(%arg25 : memref<!tpu.dma_semaphore, #tpu.memory_space<semaphore_mem>>)
      %add3A_131 = arith.constant 2 : i32
      %add3A_132 = arith.addi %add3A_113, %add3A_131 : i32
      %lt3A_133 = arith.constant 8 : i32
      %lt3A_134 = arith.cmpi slt, %add3A_132, %lt3A_133 : i32
      %convert_element_type3A_135 = arith.extui %lt3A_134 : i1 to i32
      %cond3A_136 = arith.constant 0 : i32
      %cond3A_137 = arith.cmpi ne, %convert_element_type3A_135, %cond3A_136 : i32
      scf.if %cond3A_137 {
        %add3A_138 = arith.constant 2 : i32
        %add3A_139 = arith.addi %add3A_113, %add3A_138 : i32
        %mul3A_140 = arith.constant 8192 : i32
        %mul3A_141 = arith.muli %add3A_139, %mul3A_140 : i32
        %add3A_142 = arith.addi %mul3A_2, %mul3A_141 : i32
        %dma_start3A_143 = tpu.memref_slice %arg6[%add3A_142] : memref<2097152xi32, #tpu.memory_space<hbm>> -> memref<8192xi32, #tpu.memory_space<hbm>>
        %dma_start3A_144 = tpu.memref_slice %arg6[%add3A_142] : memref<2097152xi32, #tpu.memory_space<hbm>> -> memref<8192xi32, #tpu.memory_space<hbm>>
        tpu.enqueue_dma source(%dma_start3A_144 : memref<8192xi32, #tpu.memory_space<hbm>>) target(%arg17 : memref<8192xi32, #tpu.memory_space<vmem>>) target_semaphore(%arg23 : memref<!tpu.dma_semaphore, #tpu.memory_space<semaphore_mem>>)
        %dma_start3A_145 = tpu.memref_slice %arg2[%add3A_142] : memref<2097152xf32, #tpu.memory_space<hbm>> -> memref<8192xf32, #tpu.memory_space<hbm>>
        %dma_start3A_146 = tpu.memref_slice %arg2[%add3A_142] : memref<2097152xf32, #tpu.memory_space<hbm>> -> memref<8192xf32, #tpu.memory_space<hbm>>
        tpu.enqueue_dma source(%dma_start3A_146 : memref<8192xf32, #tpu.memory_space<hbm>>) target(%arg19 : memref<8192xf32, #tpu.memory_space<vmem>>) target_semaphore(%arg23 : memref<!tpu.dma_semaphore, #tpu.memory_space<semaphore_mem>>)
      } else {
      }
    }
    %scan3A_18 = arith.constant 4 : i32
    %dma_wait3A = tpu.memref_slice %arg11[%mul3A_2] : memref<2097152xf32, #tpu.memory_space<hbm>> -> memref<8192xf32, #tpu.memory_space<hbm>>
    %dma_wait3A_19 = tpu.memref_slice %arg11[%mul3A_2] : memref<2097152xf32, #tpu.memory_space<hbm>> -> memref<8192xf32, #tpu.memory_space<hbm>>
    tpu.wait_dma2 semaphore(%arg24 : memref<!tpu.dma_semaphore, #tpu.memory_space<semaphore_mem>>) src(%arg20 : memref<8192xf32, #tpu.memory_space<vmem>>) dst(%dma_wait3A_19 : memref<8192xf32, #tpu.memory_space<hbm>>)
    %dma_wait3A_20 = tpu.memref_slice %arg11[%mul3A_2] : memref<2097152xf32, #tpu.memory_space<hbm>> -> memref<8192xf32, #tpu.memory_space<hbm>>
    %dma_wait3A_21 = tpu.memref_slice %arg11[%mul3A_2] : memref<2097152xf32, #tpu.memory_space<hbm>> -> memref<8192xf32, #tpu.memory_space<hbm>>
    tpu.wait_dma2 semaphore(%arg25 : memref<!tpu.dma_semaphore, #tpu.memory_space<semaphore_mem>>) src(%arg21 : memref<8192xf32, #tpu.memory_space<vmem>>) dst(%dma_wait3A_21 : memref<8192xf32, #tpu.memory_space<hbm>>)
    %add3A_22 = arith.constant 0 : i32
    %add3A_23 = arith.addi %mul3A_2, %add3A_22 : i32
    %dma_start3A_24 = tpu.memref_slice %arg7[%add3A_23] : memref<2097152xi32, #tpu.memory_space<hbm>> -> memref<8192xi32, #tpu.memory_space<hbm>>
    %dma_start3A_25 = tpu.memref_slice %arg7[%add3A_23] : memref<2097152xi32, #tpu.memory_space<hbm>> -> memref<8192xi32, #tpu.memory_space<hbm>>
    tpu.enqueue_dma source(%dma_start3A_25 : memref<8192xi32, #tpu.memory_space<hbm>>) target(%arg16 : memref<8192xi32, #tpu.memory_space<vmem>>) target_semaphore(%arg22 : memref<!tpu.dma_semaphore, #tpu.memory_space<semaphore_mem>>)
    %dma_start3A_26 = tpu.memref_slice %arg3[%add3A_23] : memref<2097152xf32, #tpu.memory_space<hbm>> -> memref<8192xf32, #tpu.memory_space<hbm>>
    %dma_start3A_27 = tpu.memref_slice %arg3[%add3A_23] : memref<2097152xf32, #tpu.memory_space<hbm>> -> memref<8192xf32, #tpu.memory_space<hbm>>
    tpu.enqueue_dma source(%dma_start3A_27 : memref<8192xf32, #tpu.memory_space<hbm>>) target(%arg18 : memref<8192xf32, #tpu.memory_space<vmem>>) target_semaphore(%arg22 : memref<!tpu.dma_semaphore, #tpu.memory_space<semaphore_mem>>)
    %add3A_28 = arith.constant 8192 : i32
    %add3A_29 = arith.addi %mul3A_2, %add3A_28 : i32
    %dma_start3A_30 = tpu.memref_slice %arg7[%add3A_29] : memref<2097152xi32, #tpu.memory_space<hbm>> -> memref<8192xi32, #tpu.memory_space<hbm>>
    %dma_start3A_31 = tpu.memref_slice %arg7[%add3A_29] : memref<2097152xi32, #tpu.memory_space<hbm>> -> memref<8192xi32, #tpu.memory_space<hbm>>
    tpu.enqueue_dma source(%dma_start3A_31 : memref<8192xi32, #tpu.memory_space<hbm>>) target(%arg17 : memref<8192xi32, #tpu.memory_space<vmem>>) target_semaphore(%arg23 : memref<!tpu.dma_semaphore, #tpu.memory_space<semaphore_mem>>)
    %dma_start3A_32 = tpu.memref_slice %arg3[%add3A_29] : memref<2097152xf32, #tpu.memory_space<hbm>> -> memref<8192xf32, #tpu.memory_space<hbm>>
    %dma_start3A_33 = tpu.memref_slice %arg3[%add3A_29] : memref<2097152xf32, #tpu.memory_space<hbm>> -> memref<8192xf32, #tpu.memory_space<hbm>>
    tpu.enqueue_dma source(%dma_start3A_33 : memref<8192xf32, #tpu.memory_space<hbm>>) target(%arg19 : memref<8192xf32, #tpu.memory_space<vmem>>) target_semaphore(%arg23 : memref<!tpu.dma_semaphore, #tpu.memory_space<semaphore_mem>>)
    %scan3A_34 = arith.constant 0 : i32
    %scan3A_35 = arith.constant 0 : i32
    %scan3A_36 = arith.constant 4 : i32
    %scan3A_37 = arith.addi %scan3A_35, %scan3A_36 : i32
    %scan3A_38 = arith.constant 1 : i32
    scf.for %scan3A_88 = %scan3A_35 to %scan3A_37 step %scan3A_38  : i32 {
      %mul3A_89 = arith.constant 2 : i32
      %mul3A_90 = arith.muli %scan3A_88, %mul3A_89 : i32
      %add3A_91 = arith.constant 0 : i32
      %add3A_92 = arith.addi %mul3A_90, %add3A_91 : i32
      %dma_wait3A_93 = tpu.memref_slice %arg7[%mul3A_2] : memref<2097152xi32, #tpu.memory_space<hbm>> -> memref<8192xi32, #tpu.memory_space<hbm>>
      %dma_wait3A_94 = tpu.memref_slice %arg7[%mul3A_2] : memref<2097152xi32, #tpu.memory_space<hbm>> -> memref<8192xi32, #tpu.memory_space<hbm>>
      tpu.wait_dma2 semaphore(%arg22 : memref<!tpu.dma_semaphore, #tpu.memory_space<semaphore_mem>>) src(%dma_wait3A_94 : memref<8192xi32, #tpu.memory_space<hbm>>) dst(%arg16 : memref<8192xi32, #tpu.memory_space<vmem>>)
      %dma_wait3A_95 = tpu.memref_slice %arg3[%mul3A_2] : memref<2097152xf32, #tpu.memory_space<hbm>> -> memref<8192xf32, #tpu.memory_space<hbm>>
      %dma_wait3A_96 = tpu.memref_slice %arg3[%mul3A_2] : memref<2097152xf32, #tpu.memory_space<hbm>> -> memref<8192xf32, #tpu.memory_space<hbm>>
      tpu.wait_dma2 semaphore(%arg22 : memref<!tpu.dma_semaphore, #tpu.memory_space<semaphore_mem>>) src(%dma_wait3A_96 : memref<8192xf32, #tpu.memory_space<hbm>>) dst(%arg18 : memref<8192xf32, #tpu.memory_space<vmem>>)
      %gt3A = arith.constant 0 : i32
      %gt3A_97 = arith.cmpi sgt, %scan3A_88, %gt3A : i32
      %convert_element_type3A = arith.extui %gt3A_97 : i1 to i32
      %cond3A = arith.constant 0 : i32
      %cond3A_98 = arith.cmpi ne, %convert_element_type3A, %cond3A : i32
      scf.if %cond3A_98 {
        %dma_wait3A_138 = tpu.memref_slice %arg12[%mul3A_2] : memref<2097152xf32, #tpu.memory_space<hbm>> -> memref<8192xf32, #tpu.memory_space<hbm>>
        %dma_wait3A_139 = tpu.memref_slice %arg12[%mul3A_2] : memref<2097152xf32, #tpu.memory_space<hbm>> -> memref<8192xf32, #tpu.memory_space<hbm>>
        tpu.wait_dma2 semaphore(%arg24 : memref<!tpu.dma_semaphore, #tpu.memory_space<semaphore_mem>>) src(%arg20 : memref<8192xf32, #tpu.memory_space<vmem>>) dst(%dma_wait3A_139 : memref<8192xf32, #tpu.memory_space<hbm>>)
      } else {
      }
      %parallel_loop3A = arith.constant 0 : i32
      %parallel_loop3A_99 = arith.constant 512 : i32
      %parallel_loop3A_100 = arith.constant 1 : i32
      scf.for %parallel_loop3A_138 = %parallel_loop3A to %parallel_loop3A_99 step %parallel_loop3A_100  : i32 {
        %parallel_loop3A_139 = arith.constant 16 : i32
        %parallel_loop3A_140 = arith.muli %parallel_loop3A_138, %parallel_loop3A_139 : i32
        %parallel_loop3A_141 = arith.index_cast %parallel_loop3A_140 : i32 to index
        %parallel_loop3A_142 = tpu.vector_load %arg18[%parallel_loop3A_141] {strides = array<i32>} : memref<8192xf32, #tpu.memory_space<vmem>>, vector<16xf32>,
        %parallel_loop3A_143 = arith.index_cast %parallel_loop3A_140 : i32 to index
        %parallel_loop3A_144 = tpu.vector_load %arg16[%parallel_loop3A_143] {strides = array<i32>} : memref<8192xi32, #tpu.memory_space<vmem>>, vector<16xi32>,
        %parallel_loop3A_145 = tpu.vector_load_idx %arg15[%parallel_loop3A_144] : memref<4096xf32, #tpu.memory_space<vmem>>[vector<16xi32>], vector<16xf32>,
        %parallel_loop3A_146 = arith.addf %parallel_loop3A_142, %parallel_loop3A_145 : vector<16xf32>
        %parallel_loop3A_147 = arith.index_cast %parallel_loop3A_140 : i32 to index
        %parallel_loop3A_148 = tpu.vector_load %arg20[%parallel_loop3A_147] {strides = array<i32>} : memref<8192xf32, #tpu.memory_space<vmem>>, vector<16xf32>,
        tpu.vector_store %arg20[%parallel_loop3A_147], %parallel_loop3A_146 {strides = array<i32>} : memref<8192xf32, #tpu.memory_space<vmem>>, vector<16xf32>,
      } {sc.loop_unroll_factor = 8 : i64, sc.parallel_access}
      %mul3A_101 = arith.constant 8192 : i32
      %mul3A_102 = arith.muli %add3A_92, %mul3A_101 : i32
      %add3A_103 = arith.addi %mul3A_2, %mul3A_102 : i32
      %dma_start3A_104 = tpu.memref_slice %arg12[%add3A_103] : memref<2097152xf32, #tpu.memory_space<hbm>> -> memref<8192xf32, #tpu.memory_space<hbm>>
      %dma_start3A_105 = tpu.memref_slice %arg12[%add3A_103] : memref<2097152xf32, #tpu.memory_space<hbm>> -> memref<8192xf32, #tpu.memory_space<hbm>>
      tpu.enqueue_dma source(%arg20 : memref<8192xf32, #tpu.memory_space<vmem>>) target(%dma_start3A_105 : memref<8192xf32, #tpu.memory_space<hbm>>) target_semaphore(%arg24 : memref<!tpu.dma_semaphore, #tpu.memory_space<semaphore_mem>>)
      %add3A_106 = arith.constant 2 : i32
      %add3A_107 = arith.addi %add3A_92, %add3A_106 : i32
      %lt3A = arith.constant 8 : i32
      %lt3A_108 = arith.cmpi slt, %add3A_107, %lt3A : i32
      %convert_element_type3A_109 = arith.extui %lt3A_108 : i1 to i32
      %cond3A_110 = arith.constant 0 : i32
      %cond3A_111 = arith.cmpi ne, %convert_element_type3A_109, %cond3A_110 : i32
      scf.if %cond3A_111 {
        %add3A_138 = arith.constant 2 : i32
        %add3A_139 = arith.addi %add3A_92, %add3A_138 : i32
        %mul3A_140 = arith.constant 8192 : i32
        %mul3A_141 = arith.muli %add3A_139, %mul3A_140 : i32
        %add3A_142 = arith.addi %mul3A_2, %mul3A_141 : i32
        %dma_start3A_143 = tpu.memref_slice %arg7[%add3A_142] : memref<2097152xi32, #tpu.memory_space<hbm>> -> memref<8192xi32, #tpu.memory_space<hbm>>
        %dma_start3A_144 = tpu.memref_slice %arg7[%add3A_142] : memref<2097152xi32, #tpu.memory_space<hbm>> -> memref<8192xi32, #tpu.memory_space<hbm>>
        tpu.enqueue_dma source(%dma_start3A_144 : memref<8192xi32, #tpu.memory_space<hbm>>) target(%arg16 : memref<8192xi32, #tpu.memory_space<vmem>>) target_semaphore(%arg22 : memref<!tpu.dma_semaphore, #tpu.memory_space<semaphore_mem>>)
        %dma_start3A_145 = tpu.memref_slice %arg3[%add3A_142] : memref<2097152xf32, #tpu.memory_space<hbm>> -> memref<8192xf32, #tpu.memory_space<hbm>>
        %dma_start3A_146 = tpu.memref_slice %arg3[%add3A_142] : memref<2097152xf32, #tpu.memory_space<hbm>> -> memref<8192xf32, #tpu.memory_space<hbm>>
        tpu.enqueue_dma source(%dma_start3A_146 : memref<8192xf32, #tpu.memory_space<hbm>>) target(%arg18 : memref<8192xf32, #tpu.memory_space<vmem>>) target_semaphore(%arg22 : memref<!tpu.dma_semaphore, #tpu.memory_space<semaphore_mem>>)
      } else {
      }
      %add3A_112 = arith.constant 1 : i32
      %add3A_113 = arith.addi %mul3A_90, %add3A_112 : i32
      %dma_wait3A_114 = tpu.memref_slice %arg7[%mul3A_2] : memref<2097152xi32, #tpu.memory_space<hbm>> -> memref<8192xi32, #tpu.memory_space<hbm>>
      %dma_wait3A_115 = tpu.memref_slice %arg7[%mul3A_2] : memref<2097152xi32, #tpu.memory_space<hbm>> -> memref<8192xi32, #tpu.memory_space<hbm>>
      tpu.wait_dma2 semaphore(%arg23 : memref<!tpu.dma_semaphore, #tpu.memory_space<semaphore_mem>>) src(%dma_wait3A_115 : memref<8192xi32, #tpu.memory_space<hbm>>) dst(%arg17 : memref<8192xi32, #tpu.memory_space<vmem>>)
      %dma_wait3A_116 = tpu.memref_slice %arg3[%mul3A_2] : memref<2097152xf32, #tpu.memory_space<hbm>> -> memref<8192xf32, #tpu.memory_space<hbm>>
      %dma_wait3A_117 = tpu.memref_slice %arg3[%mul3A_2] : memref<2097152xf32, #tpu.memory_space<hbm>> -> memref<8192xf32, #tpu.memory_space<hbm>>
      tpu.wait_dma2 semaphore(%arg23 : memref<!tpu.dma_semaphore, #tpu.memory_space<semaphore_mem>>) src(%dma_wait3A_117 : memref<8192xf32, #tpu.memory_space<hbm>>) dst(%arg19 : memref<8192xf32, #tpu.memory_space<vmem>>)
      %gt3A_118 = arith.constant 0 : i32
      %gt3A_119 = arith.cmpi sgt, %scan3A_88, %gt3A_118 : i32
      %convert_element_type3A_120 = arith.extui %gt3A_119 : i1 to i32
      %cond3A_121 = arith.constant 0 : i32
      %cond3A_122 = arith.cmpi ne, %convert_element_type3A_120, %cond3A_121 : i32
      scf.if %cond3A_122 {
        %dma_wait3A_138 = tpu.memref_slice %arg12[%mul3A_2] : memref<2097152xf32, #tpu.memory_space<hbm>> -> memref<8192xf32, #tpu.memory_space<hbm>>
        %dma_wait3A_139 = tpu.memref_slice %arg12[%mul3A_2] : memref<2097152xf32, #tpu.memory_space<hbm>> -> memref<8192xf32, #tpu.memory_space<hbm>>
        tpu.wait_dma2 semaphore(%arg25 : memref<!tpu.dma_semaphore, #tpu.memory_space<semaphore_mem>>) src(%arg21 : memref<8192xf32, #tpu.memory_space<vmem>>) dst(%dma_wait3A_139 : memref<8192xf32, #tpu.memory_space<hbm>>)
      } else {
      }
      %parallel_loop3A_123 = arith.constant 0 : i32
      %parallel_loop3A_124 = arith.constant 512 : i32
      %parallel_loop3A_125 = arith.constant 1 : i32
      scf.for %parallel_loop3A_138 = %parallel_loop3A_123 to %parallel_loop3A_124 step %parallel_loop3A_125  : i32 {
        %parallel_loop3A_139 = arith.constant 16 : i32
        %parallel_loop3A_140 = arith.muli %parallel_loop3A_138, %parallel_loop3A_139 : i32
        %parallel_loop3A_141 = arith.index_cast %parallel_loop3A_140 : i32 to index
        %parallel_loop3A_142 = tpu.vector_load %arg19[%parallel_loop3A_141] {strides = array<i32>} : memref<8192xf32, #tpu.memory_space<vmem>>, vector<16xf32>,
        %parallel_loop3A_143 = arith.index_cast %parallel_loop3A_140 : i32 to index
        %parallel_loop3A_144 = tpu.vector_load %arg17[%parallel_loop3A_143] {strides = array<i32>} : memref<8192xi32, #tpu.memory_space<vmem>>, vector<16xi32>,
        %parallel_loop3A_145 = tpu.vector_load_idx %arg15[%parallel_loop3A_144] : memref<4096xf32, #tpu.memory_space<vmem>>[vector<16xi32>], vector<16xf32>,
        %parallel_loop3A_146 = arith.addf %parallel_loop3A_142, %parallel_loop3A_145 : vector<16xf32>
        %parallel_loop3A_147 = arith.index_cast %parallel_loop3A_140 : i32 to index
        %parallel_loop3A_148 = tpu.vector_load %arg21[%parallel_loop3A_147] {strides = array<i32>} : memref<8192xf32, #tpu.memory_space<vmem>>, vector<16xf32>,
        tpu.vector_store %arg21[%parallel_loop3A_147], %parallel_loop3A_146 {strides = array<i32>} : memref<8192xf32, #tpu.memory_space<vmem>>, vector<16xf32>,
      } {sc.loop_unroll_factor = 8 : i64, sc.parallel_access}
      %mul3A_126 = arith.constant 8192 : i32
      %mul3A_127 = arith.muli %add3A_113, %mul3A_126 : i32
      %add3A_128 = arith.addi %mul3A_2, %mul3A_127 : i32
      %dma_start3A_129 = tpu.memref_slice %arg12[%add3A_128] : memref<2097152xf32, #tpu.memory_space<hbm>> -> memref<8192xf32, #tpu.memory_space<hbm>>
      %dma_start3A_130 = tpu.memref_slice %arg12[%add3A_128] : memref<2097152xf32, #tpu.memory_space<hbm>> -> memref<8192xf32, #tpu.memory_space<hbm>>
      tpu.enqueue_dma source(%arg21 : memref<8192xf32, #tpu.memory_space<vmem>>) target(%dma_start3A_130 : memref<8192xf32, #tpu.memory_space<hbm>>) target_semaphore(%arg25 : memref<!tpu.dma_semaphore, #tpu.memory_space<semaphore_mem>>)
      %add3A_131 = arith.constant 2 : i32
      %add3A_132 = arith.addi %add3A_113, %add3A_131 : i32
      %lt3A_133 = arith.constant 8 : i32
      %lt3A_134 = arith.cmpi slt, %add3A_132, %lt3A_133 : i32
      %convert_element_type3A_135 = arith.extui %lt3A_134 : i1 to i32
      %cond3A_136 = arith.constant 0 : i32
      %cond3A_137 = arith.cmpi ne, %convert_element_type3A_135, %cond3A_136 : i32
      scf.if %cond3A_137 {
        %add3A_138 = arith.constant 2 : i32
        %add3A_139 = arith.addi %add3A_113, %add3A_138 : i32
        %mul3A_140 = arith.constant 8192 : i32
        %mul3A_141 = arith.muli %add3A_139, %mul3A_140 : i32
        %add3A_142 = arith.addi %mul3A_2, %mul3A_141 : i32
        %dma_start3A_143 = tpu.memref_slice %arg7[%add3A_142] : memref<2097152xi32, #tpu.memory_space<hbm>> -> memref<8192xi32, #tpu.memory_space<hbm>>
        %dma_start3A_144 = tpu.memref_slice %arg7[%add3A_142] : memref<2097152xi32, #tpu.memory_space<hbm>> -> memref<8192xi32, #tpu.memory_space<hbm>>
        tpu.enqueue_dma source(%dma_start3A_144 : memref<8192xi32, #tpu.memory_space<hbm>>) target(%arg17 : memref<8192xi32, #tpu.memory_space<vmem>>) target_semaphore(%arg23 : memref<!tpu.dma_semaphore, #tpu.memory_space<semaphore_mem>>)
        %dma_start3A_145 = tpu.memref_slice %arg3[%add3A_142] : memref<2097152xf32, #tpu.memory_space<hbm>> -> memref<8192xf32, #tpu.memory_space<hbm>>
        %dma_start3A_146 = tpu.memref_slice %arg3[%add3A_142] : memref<2097152xf32, #tpu.memory_space<hbm>> -> memref<8192xf32, #tpu.memory_space<hbm>>
        tpu.enqueue_dma source(%dma_start3A_146 : memref<8192xf32, #tpu.memory_space<hbm>>) target(%arg19 : memref<8192xf32, #tpu.memory_space<vmem>>) target_semaphore(%arg23 : memref<!tpu.dma_semaphore, #tpu.memory_space<semaphore_mem>>)
      } else {
      }
    }
    %scan3A_39 = arith.constant 4 : i32
    %dma_wait3A_40 = tpu.memref_slice %arg12[%mul3A_2] : memref<2097152xf32, #tpu.memory_space<hbm>> -> memref<8192xf32, #tpu.memory_space<hbm>>
    %dma_wait3A_41 = tpu.memref_slice %arg12[%mul3A_2] : memref<2097152xf32, #tpu.memory_space<hbm>> -> memref<8192xf32, #tpu.memory_space<hbm>>
    tpu.wait_dma2 semaphore(%arg24 : memref<!tpu.dma_semaphore, #tpu.memory_space<semaphore_mem>>) src(%arg20 : memref<8192xf32, #tpu.memory_space<vmem>>) dst(%dma_wait3A_41 : memref<8192xf32, #tpu.memory_space<hbm>>)
    %dma_wait3A_42 = tpu.memref_slice %arg12[%mul3A_2] : memref<2097152xf32, #tpu.memory_space<hbm>> -> memref<8192xf32, #tpu.memory_space<hbm>>
    %dma_wait3A_43 = tpu.memref_slice %arg12[%mul3A_2] : memref<2097152xf32, #tpu.memory_space<hbm>> -> memref<8192xf32, #tpu.memory_space<hbm>>
    tpu.wait_dma2 semaphore(%arg25 : memref<!tpu.dma_semaphore, #tpu.memory_space<semaphore_mem>>) src(%arg21 : memref<8192xf32, #tpu.memory_space<vmem>>) dst(%dma_wait3A_43 : memref<8192xf32, #tpu.memory_space<hbm>>)
    %add3A_44 = arith.constant 0 : i32
    %add3A_45 = arith.addi %mul3A_2, %add3A_44 : i32
    %dma_start3A_46 = tpu.memref_slice %arg8[%add3A_45] : memref<2097152xi32, #tpu.memory_space<hbm>> -> memref<8192xi32, #tpu.memory_space<hbm>>
    %dma_start3A_47 = tpu.memref_slice %arg8[%add3A_45] : memref<2097152xi32, #tpu.memory_space<hbm>> -> memref<8192xi32, #tpu.memory_space<hbm>>
    tpu.enqueue_dma source(%dma_start3A_47 : memref<8192xi32, #tpu.memory_space<hbm>>) target(%arg16 : memref<8192xi32, #tpu.memory_space<vmem>>) target_semaphore(%arg22 : memref<!tpu.dma_semaphore, #tpu.memory_space<semaphore_mem>>)
    %dma_start3A_48 = tpu.memref_slice %arg4[%add3A_45] : memref<2097152xf32, #tpu.memory_space<hbm>> -> memref<8192xf32, #tpu.memory_space<hbm>>
    %dma_start3A_49 = tpu.memref_slice %arg4[%add3A_45] : memref<2097152xf32, #tpu.memory_space<hbm>> -> memref<8192xf32, #tpu.memory_space<hbm>>
    tpu.enqueue_dma source(%dma_start3A_49 : memref<8192xf32, #tpu.memory_space<hbm>>) target(%arg18 : memref<8192xf32, #tpu.memory_space<vmem>>) target_semaphore(%arg22 : memref<!tpu.dma_semaphore, #tpu.memory_space<semaphore_mem>>)
    %add3A_50 = arith.constant 8192 : i32
    %add3A_51 = arith.addi %mul3A_2, %add3A_50 : i32
    %dma_start3A_52 = tpu.memref_slice %arg8[%add3A_51] : memref<2097152xi32, #tpu.memory_space<hbm>> -> memref<8192xi32, #tpu.memory_space<hbm>>
    %dma_start3A_53 = tpu.memref_slice %arg8[%add3A_51] : memref<2097152xi32, #tpu.memory_space<hbm>> -> memref<8192xi32, #tpu.memory_space<hbm>>
    tpu.enqueue_dma source(%dma_start3A_53 : memref<8192xi32, #tpu.memory_space<hbm>>) target(%arg17 : memref<8192xi32, #tpu.memory_space<vmem>>) target_semaphore(%arg23 : memref<!tpu.dma_semaphore, #tpu.memory_space<semaphore_mem>>)
    %dma_start3A_54 = tpu.memref_slice %arg4[%add3A_51] : memref<2097152xf32, #tpu.memory_space<hbm>> -> memref<8192xf32, #tpu.memory_space<hbm>>
    %dma_start3A_55 = tpu.memref_slice %arg4[%add3A_51] : memref<2097152xf32, #tpu.memory_space<hbm>> -> memref<8192xf32, #tpu.memory_space<hbm>>
    tpu.enqueue_dma source(%dma_start3A_55 : memref<8192xf32, #tpu.memory_space<hbm>>) target(%arg19 : memref<8192xf32, #tpu.memory_space<vmem>>) target_semaphore(%arg23 : memref<!tpu.dma_semaphore, #tpu.memory_space<semaphore_mem>>)
    %scan3A_56 = arith.constant 0 : i32
    %scan3A_57 = arith.constant 0 : i32
    %scan3A_58 = arith.constant 4 : i32
    %scan3A_59 = arith.addi %scan3A_57, %scan3A_58 : i32
    %scan3A_60 = arith.constant 1 : i32
    scf.for %scan3A_88 = %scan3A_57 to %scan3A_59 step %scan3A_60  : i32 {
      %mul3A_89 = arith.constant 2 : i32
      %mul3A_90 = arith.muli %scan3A_88, %mul3A_89 : i32
      %add3A_91 = arith.constant 0 : i32
      %add3A_92 = arith.addi %mul3A_90, %add3A_91 : i32
      %dma_wait3A_93 = tpu.memref_slice %arg8[%mul3A_2] : memref<2097152xi32, #tpu.memory_space<hbm>> -> memref<8192xi32, #tpu.memory_space<hbm>>
      %dma_wait3A_94 = tpu.memref_slice %arg8[%mul3A_2] : memref<2097152xi32, #tpu.memory_space<hbm>> -> memref<8192xi32, #tpu.memory_space<hbm>>
      tpu.wait_dma2 semaphore(%arg22 : memref<!tpu.dma_semaphore, #tpu.memory_space<semaphore_mem>>) src(%dma_wait3A_94 : memref<8192xi32, #tpu.memory_space<hbm>>) dst(%arg16 : memref<8192xi32, #tpu.memory_space<vmem>>)
      %dma_wait3A_95 = tpu.memref_slice %arg4[%mul3A_2] : memref<2097152xf32, #tpu.memory_space<hbm>> -> memref<8192xf32, #tpu.memory_space<hbm>>
      %dma_wait3A_96 = tpu.memref_slice %arg4[%mul3A_2] : memref<2097152xf32, #tpu.memory_space<hbm>> -> memref<8192xf32, #tpu.memory_space<hbm>>
      tpu.wait_dma2 semaphore(%arg22 : memref<!tpu.dma_semaphore, #tpu.memory_space<semaphore_mem>>) src(%dma_wait3A_96 : memref<8192xf32, #tpu.memory_space<hbm>>) dst(%arg18 : memref<8192xf32, #tpu.memory_space<vmem>>)
      %gt3A = arith.constant 0 : i32
      %gt3A_97 = arith.cmpi sgt, %scan3A_88, %gt3A : i32
      %convert_element_type3A = arith.extui %gt3A_97 : i1 to i32
      %cond3A = arith.constant 0 : i32
      %cond3A_98 = arith.cmpi ne, %convert_element_type3A, %cond3A : i32
      scf.if %cond3A_98 {
        %dma_wait3A_138 = tpu.memref_slice %arg13[%mul3A_2] : memref<2097152xf32, #tpu.memory_space<hbm>> -> memref<8192xf32, #tpu.memory_space<hbm>>
        %dma_wait3A_139 = tpu.memref_slice %arg13[%mul3A_2] : memref<2097152xf32, #tpu.memory_space<hbm>> -> memref<8192xf32, #tpu.memory_space<hbm>>
        tpu.wait_dma2 semaphore(%arg24 : memref<!tpu.dma_semaphore, #tpu.memory_space<semaphore_mem>>) src(%arg20 : memref<8192xf32, #tpu.memory_space<vmem>>) dst(%dma_wait3A_139 : memref<8192xf32, #tpu.memory_space<hbm>>)
      } else {
      }
      %parallel_loop3A = arith.constant 0 : i32
      %parallel_loop3A_99 = arith.constant 512 : i32
      %parallel_loop3A_100 = arith.constant 1 : i32
      scf.for %parallel_loop3A_138 = %parallel_loop3A to %parallel_loop3A_99 step %parallel_loop3A_100  : i32 {
        %parallel_loop3A_139 = arith.constant 16 : i32
        %parallel_loop3A_140 = arith.muli %parallel_loop3A_138, %parallel_loop3A_139 : i32
        %parallel_loop3A_141 = arith.index_cast %parallel_loop3A_140 : i32 to index
        %parallel_loop3A_142 = tpu.vector_load %arg18[%parallel_loop3A_141] {strides = array<i32>} : memref<8192xf32, #tpu.memory_space<vmem>>, vector<16xf32>,
        %parallel_loop3A_143 = arith.index_cast %parallel_loop3A_140 : i32 to index
        %parallel_loop3A_144 = tpu.vector_load %arg16[%parallel_loop3A_143] {strides = array<i32>} : memref<8192xi32, #tpu.memory_space<vmem>>, vector<16xi32>,
        %parallel_loop3A_145 = tpu.vector_load_idx %arg15[%parallel_loop3A_144] : memref<4096xf32, #tpu.memory_space<vmem>>[vector<16xi32>], vector<16xf32>,
        %parallel_loop3A_146 = arith.addf %parallel_loop3A_142, %parallel_loop3A_145 : vector<16xf32>
        %parallel_loop3A_147 = arith.index_cast %parallel_loop3A_140 : i32 to index
        %parallel_loop3A_148 = tpu.vector_load %arg20[%parallel_loop3A_147] {strides = array<i32>} : memref<8192xf32, #tpu.memory_space<vmem>>, vector<16xf32>,
        tpu.vector_store %arg20[%parallel_loop3A_147], %parallel_loop3A_146 {strides = array<i32>} : memref<8192xf32, #tpu.memory_space<vmem>>, vector<16xf32>,
      } {sc.loop_unroll_factor = 8 : i64, sc.parallel_access}
      %mul3A_101 = arith.constant 8192 : i32
      %mul3A_102 = arith.muli %add3A_92, %mul3A_101 : i32
      %add3A_103 = arith.addi %mul3A_2, %mul3A_102 : i32
      %dma_start3A_104 = tpu.memref_slice %arg13[%add3A_103] : memref<2097152xf32, #tpu.memory_space<hbm>> -> memref<8192xf32, #tpu.memory_space<hbm>>
      %dma_start3A_105 = tpu.memref_slice %arg13[%add3A_103] : memref<2097152xf32, #tpu.memory_space<hbm>> -> memref<8192xf32, #tpu.memory_space<hbm>>
      tpu.enqueue_dma source(%arg20 : memref<8192xf32, #tpu.memory_space<vmem>>) target(%dma_start3A_105 : memref<8192xf32, #tpu.memory_space<hbm>>) target_semaphore(%arg24 : memref<!tpu.dma_semaphore, #tpu.memory_space<semaphore_mem>>)
      %add3A_106 = arith.constant 2 : i32
      %add3A_107 = arith.addi %add3A_92, %add3A_106 : i32
      %lt3A = arith.constant 8 : i32
      %lt3A_108 = arith.cmpi slt, %add3A_107, %lt3A : i32
      %convert_element_type3A_109 = arith.extui %lt3A_108 : i1 to i32
      %cond3A_110 = arith.constant 0 : i32
      %cond3A_111 = arith.cmpi ne, %convert_element_type3A_109, %cond3A_110 : i32
      scf.if %cond3A_111 {
        %add3A_138 = arith.constant 2 : i32
        %add3A_139 = arith.addi %add3A_92, %add3A_138 : i32
        %mul3A_140 = arith.constant 8192 : i32
        %mul3A_141 = arith.muli %add3A_139, %mul3A_140 : i32
        %add3A_142 = arith.addi %mul3A_2, %mul3A_141 : i32
        %dma_start3A_143 = tpu.memref_slice %arg8[%add3A_142] : memref<2097152xi32, #tpu.memory_space<hbm>> -> memref<8192xi32, #tpu.memory_space<hbm>>
        %dma_start3A_144 = tpu.memref_slice %arg8[%add3A_142] : memref<2097152xi32, #tpu.memory_space<hbm>> -> memref<8192xi32, #tpu.memory_space<hbm>>
        tpu.enqueue_dma source(%dma_start3A_144 : memref<8192xi32, #tpu.memory_space<hbm>>) target(%arg16 : memref<8192xi32, #tpu.memory_space<vmem>>) target_semaphore(%arg22 : memref<!tpu.dma_semaphore, #tpu.memory_space<semaphore_mem>>)
        %dma_start3A_145 = tpu.memref_slice %arg4[%add3A_142] : memref<2097152xf32, #tpu.memory_space<hbm>> -> memref<8192xf32, #tpu.memory_space<hbm>>
        %dma_start3A_146 = tpu.memref_slice %arg4[%add3A_142] : memref<2097152xf32, #tpu.memory_space<hbm>> -> memref<8192xf32, #tpu.memory_space<hbm>>
        tpu.enqueue_dma source(%dma_start3A_146 : memref<8192xf32, #tpu.memory_space<hbm>>) target(%arg18 : memref<8192xf32, #tpu.memory_space<vmem>>) target_semaphore(%arg22 : memref<!tpu.dma_semaphore, #tpu.memory_space<semaphore_mem>>)
      } else {
      }
      %add3A_112 = arith.constant 1 : i32
      %add3A_113 = arith.addi %mul3A_90, %add3A_112 : i32
      %dma_wait3A_114 = tpu.memref_slice %arg8[%mul3A_2] : memref<2097152xi32, #tpu.memory_space<hbm>> -> memref<8192xi32, #tpu.memory_space<hbm>>
      %dma_wait3A_115 = tpu.memref_slice %arg8[%mul3A_2] : memref<2097152xi32, #tpu.memory_space<hbm>> -> memref<8192xi32, #tpu.memory_space<hbm>>
      tpu.wait_dma2 semaphore(%arg23 : memref<!tpu.dma_semaphore, #tpu.memory_space<semaphore_mem>>) src(%dma_wait3A_115 : memref<8192xi32, #tpu.memory_space<hbm>>) dst(%arg17 : memref<8192xi32, #tpu.memory_space<vmem>>)
      %dma_wait3A_116 = tpu.memref_slice %arg4[%mul3A_2] : memref<2097152xf32, #tpu.memory_space<hbm>> -> memref<8192xf32, #tpu.memory_space<hbm>>
      %dma_wait3A_117 = tpu.memref_slice %arg4[%mul3A_2] : memref<2097152xf32, #tpu.memory_space<hbm>> -> memref<8192xf32, #tpu.memory_space<hbm>>
      tpu.wait_dma2 semaphore(%arg23 : memref<!tpu.dma_semaphore, #tpu.memory_space<semaphore_mem>>) src(%dma_wait3A_117 : memref<8192xf32, #tpu.memory_space<hbm>>) dst(%arg19 : memref<8192xf32, #tpu.memory_space<vmem>>)
      %gt3A_118 = arith.constant 0 : i32
      %gt3A_119 = arith.cmpi sgt, %scan3A_88, %gt3A_118 : i32
      %convert_element_type3A_120 = arith.extui %gt3A_119 : i1 to i32
      %cond3A_121 = arith.constant 0 : i32
      %cond3A_122 = arith.cmpi ne, %convert_element_type3A_120, %cond3A_121 : i32
      scf.if %cond3A_122 {
        %dma_wait3A_138 = tpu.memref_slice %arg13[%mul3A_2] : memref<2097152xf32, #tpu.memory_space<hbm>> -> memref<8192xf32, #tpu.memory_space<hbm>>
        %dma_wait3A_139 = tpu.memref_slice %arg13[%mul3A_2] : memref<2097152xf32, #tpu.memory_space<hbm>> -> memref<8192xf32, #tpu.memory_space<hbm>>
        tpu.wait_dma2 semaphore(%arg25 : memref<!tpu.dma_semaphore, #tpu.memory_space<semaphore_mem>>) src(%arg21 : memref<8192xf32, #tpu.memory_space<vmem>>) dst(%dma_wait3A_139 : memref<8192xf32, #tpu.memory_space<hbm>>)
      } else {
      }
      %parallel_loop3A_123 = arith.constant 0 : i32
      %parallel_loop3A_124 = arith.constant 512 : i32
      %parallel_loop3A_125 = arith.constant 1 : i32
      scf.for %parallel_loop3A_138 = %parallel_loop3A_123 to %parallel_loop3A_124 step %parallel_loop3A_125  : i32 {
        %parallel_loop3A_139 = arith.constant 16 : i32
        %parallel_loop3A_140 = arith.muli %parallel_loop3A_138, %parallel_loop3A_139 : i32
        %parallel_loop3A_141 = arith.index_cast %parallel_loop3A_140 : i32 to index
        %parallel_loop3A_142 = tpu.vector_load %arg19[%parallel_loop3A_141] {strides = array<i32>} : memref<8192xf32, #tpu.memory_space<vmem>>, vector<16xf32>,
        %parallel_loop3A_143 = arith.index_cast %parallel_loop3A_140 : i32 to index
        %parallel_loop3A_144 = tpu.vector_load %arg17[%parallel_loop3A_143] {strides = array<i32>} : memref<8192xi32, #tpu.memory_space<vmem>>, vector<16xi32>,
        %parallel_loop3A_145 = tpu.vector_load_idx %arg15[%parallel_loop3A_144] : memref<4096xf32, #tpu.memory_space<vmem>>[vector<16xi32>], vector<16xf32>,
        %parallel_loop3A_146 = arith.addf %parallel_loop3A_142, %parallel_loop3A_145 : vector<16xf32>
        %parallel_loop3A_147 = arith.index_cast %parallel_loop3A_140 : i32 to index
        %parallel_loop3A_148 = tpu.vector_load %arg21[%parallel_loop3A_147] {strides = array<i32>} : memref<8192xf32, #tpu.memory_space<vmem>>, vector<16xf32>,
        tpu.vector_store %arg21[%parallel_loop3A_147], %parallel_loop3A_146 {strides = array<i32>} : memref<8192xf32, #tpu.memory_space<vmem>>, vector<16xf32>,
      } {sc.loop_unroll_factor = 8 : i64, sc.parallel_access}
      %mul3A_126 = arith.constant 8192 : i32
      %mul3A_127 = arith.muli %add3A_113, %mul3A_126 : i32
      %add3A_128 = arith.addi %mul3A_2, %mul3A_127 : i32
      %dma_start3A_129 = tpu.memref_slice %arg13[%add3A_128] : memref<2097152xf32, #tpu.memory_space<hbm>> -> memref<8192xf32, #tpu.memory_space<hbm>>
      %dma_start3A_130 = tpu.memref_slice %arg13[%add3A_128] : memref<2097152xf32, #tpu.memory_space<hbm>> -> memref<8192xf32, #tpu.memory_space<hbm>>
      tpu.enqueue_dma source(%arg21 : memref<8192xf32, #tpu.memory_space<vmem>>) target(%dma_start3A_130 : memref<8192xf32, #tpu.memory_space<hbm>>) target_semaphore(%arg25 : memref<!tpu.dma_semaphore, #tpu.memory_space<semaphore_mem>>)
      %add3A_131 = arith.constant 2 : i32
      %add3A_132 = arith.addi %add3A_113, %add3A_131 : i32
      %lt3A_133 = arith.constant 8 : i32
      %lt3A_134 = arith.cmpi slt, %add3A_132, %lt3A_133 : i32
      %convert_element_type3A_135 = arith.extui %lt3A_134 : i1 to i32
      %cond3A_136 = arith.constant 0 : i32
      %cond3A_137 = arith.cmpi ne, %convert_element_type3A_135, %cond3A_136 : i32
      scf.if %cond3A_137 {
        %add3A_138 = arith.constant 2 : i32
        %add3A_139 = arith.addi %add3A_113, %add3A_138 : i32
        %mul3A_140 = arith.constant 8192 : i32
        %mul3A_141 = arith.muli %add3A_139, %mul3A_140 : i32
        %add3A_142 = arith.addi %mul3A_2, %mul3A_141 : i32
        %dma_start3A_143 = tpu.memref_slice %arg8[%add3A_142] : memref<2097152xi32, #tpu.memory_space<hbm>> -> memref<8192xi32, #tpu.memory_space<hbm>>
        %dma_start3A_144 = tpu.memref_slice %arg8[%add3A_142] : memref<2097152xi32, #tpu.memory_space<hbm>> -> memref<8192xi32, #tpu.memory_space<hbm>>
        tpu.enqueue_dma source(%dma_start3A_144 : memref<8192xi32, #tpu.memory_space<hbm>>) target(%arg17 : memref<8192xi32, #tpu.memory_space<vmem>>) target_semaphore(%arg23 : memref<!tpu.dma_semaphore, #tpu.memory_space<semaphore_mem>>)
        %dma_start3A_145 = tpu.memref_slice %arg4[%add3A_142] : memref<2097152xf32, #tpu.memory_space<hbm>> -> memref<8192xf32, #tpu.memory_space<hbm>>
        %dma_start3A_146 = tpu.memref_slice %arg4[%add3A_142] : memref<2097152xf32, #tpu.memory_space<hbm>> -> memref<8192xf32, #tpu.memory_space<hbm>>
        tpu.enqueue_dma source(%dma_start3A_146 : memref<8192xf32, #tpu.memory_space<hbm>>) target(%arg19 : memref<8192xf32, #tpu.memory_space<vmem>>) target_semaphore(%arg23 : memref<!tpu.dma_semaphore, #tpu.memory_space<semaphore_mem>>)
      } else {
      }
    }
    %scan3A_61 = arith.constant 4 : i32
    %dma_wait3A_62 = tpu.memref_slice %arg13[%mul3A_2] : memref<2097152xf32, #tpu.memory_space<hbm>> -> memref<8192xf32, #tpu.memory_space<hbm>>
    %dma_wait3A_63 = tpu.memref_slice %arg13[%mul3A_2] : memref<2097152xf32, #tpu.memory_space<hbm>> -> memref<8192xf32, #tpu.memory_space<hbm>>
    tpu.wait_dma2 semaphore(%arg24 : memref<!tpu.dma_semaphore, #tpu.memory_space<semaphore_mem>>) src(%arg20 : memref<8192xf32, #tpu.memory_space<vmem>>) dst(%dma_wait3A_63 : memref<8192xf32, #tpu.memory_space<hbm>>)
    %dma_wait3A_64 = tpu.memref_slice %arg13[%mul3A_2] : memref<2097152xf32, #tpu.memory_space<hbm>> -> memref<8192xf32, #tpu.memory_space<hbm>>
    %dma_wait3A_65 = tpu.memref_slice %arg13[%mul3A_2] : memref<2097152xf32, #tpu.memory_space<hbm>> -> memref<8192xf32, #tpu.memory_space<hbm>>
    tpu.wait_dma2 semaphore(%arg25 : memref<!tpu.dma_semaphore, #tpu.memory_space<semaphore_mem>>) src(%arg21 : memref<8192xf32, #tpu.memory_space<vmem>>) dst(%dma_wait3A_65 : memref<8192xf32, #tpu.memory_space<hbm>>)
    %add3A_66 = arith.constant 0 : i32
    %add3A_67 = arith.addi %mul3A_2, %add3A_66 : i32
    %dma_start3A_68 = tpu.memref_slice %arg9[%add3A_67] : memref<2097152xi32, #tpu.memory_space<hbm>> -> memref<8192xi32, #tpu.memory_space<hbm>>
    %dma_start3A_69 = tpu.memref_slice %arg9[%add3A_67] : memref<2097152xi32, #tpu.memory_space<hbm>> -> memref<8192xi32, #tpu.memory_space<hbm>>
    tpu.enqueue_dma source(%dma_start3A_69 : memref<8192xi32, #tpu.memory_space<hbm>>) target(%arg16 : memref<8192xi32, #tpu.memory_space<vmem>>) target_semaphore(%arg22 : memref<!tpu.dma_semaphore, #tpu.memory_space<semaphore_mem>>)
    %dma_start3A_70 = tpu.memref_slice %arg5[%add3A_67] : memref<2097152xf32, #tpu.memory_space<hbm>> -> memref<8192xf32, #tpu.memory_space<hbm>>
    %dma_start3A_71 = tpu.memref_slice %arg5[%add3A_67] : memref<2097152xf32, #tpu.memory_space<hbm>> -> memref<8192xf32, #tpu.memory_space<hbm>>
    tpu.enqueue_dma source(%dma_start3A_71 : memref<8192xf32, #tpu.memory_space<hbm>>) target(%arg18 : memref<8192xf32, #tpu.memory_space<vmem>>) target_semaphore(%arg22 : memref<!tpu.dma_semaphore, #tpu.memory_space<semaphore_mem>>)
    %add3A_72 = arith.constant 8192 : i32
    %add3A_73 = arith.addi %mul3A_2, %add3A_72 : i32
    %dma_start3A_74 = tpu.memref_slice %arg9[%add3A_73] : memref<2097152xi32, #tpu.memory_space<hbm>> -> memref<8192xi32, #tpu.memory_space<hbm>>
    %dma_start3A_75 = tpu.memref_slice %arg9[%add3A_73] : memref<2097152xi32, #tpu.memory_space<hbm>> -> memref<8192xi32, #tpu.memory_space<hbm>>
    tpu.enqueue_dma source(%dma_start3A_75 : memref<8192xi32, #tpu.memory_space<hbm>>) target(%arg17 : memref<8192xi32, #tpu.memory_space<vmem>>) target_semaphore(%arg23 : memref<!tpu.dma_semaphore, #tpu.memory_space<semaphore_mem>>)
    %dma_start3A_76 = tpu.memref_slice %arg5[%add3A_73] : memref<2097152xf32, #tpu.memory_space<hbm>> -> memref<8192xf32, #tpu.memory_space<hbm>>
    %dma_start3A_77 = tpu.memref_slice %arg5[%add3A_73] : memref<2097152xf32, #tpu.memory_space<hbm>> -> memref<8192xf32, #tpu.memory_space<hbm>>
    tpu.enqueue_dma source(%dma_start3A_77 : memref<8192xf32, #tpu.memory_space<hbm>>) target(%arg19 : memref<8192xf32, #tpu.memory_space<vmem>>) target_semaphore(%arg23 : memref<!tpu.dma_semaphore, #tpu.memory_space<semaphore_mem>>)
    %scan3A_78 = arith.constant 0 : i32
    %scan3A_79 = arith.constant 0 : i32
    %scan3A_80 = arith.constant 4 : i32
    %scan3A_81 = arith.addi %scan3A_79, %scan3A_80 : i32
    %scan3A_82 = arith.constant 1 : i32
    scf.for %scan3A_88 = %scan3A_79 to %scan3A_81 step %scan3A_82  : i32 {
      %mul3A_89 = arith.constant 2 : i32
      %mul3A_90 = arith.muli %scan3A_88, %mul3A_89 : i32
      %add3A_91 = arith.constant 0 : i32
      %add3A_92 = arith.addi %mul3A_90, %add3A_91 : i32
      %dma_wait3A_93 = tpu.memref_slice %arg9[%mul3A_2] : memref<2097152xi32, #tpu.memory_space<hbm>> -> memref<8192xi32, #tpu.memory_space<hbm>>
      %dma_wait3A_94 = tpu.memref_slice %arg9[%mul3A_2] : memref<2097152xi32, #tpu.memory_space<hbm>> -> memref<8192xi32, #tpu.memory_space<hbm>>
      tpu.wait_dma2 semaphore(%arg22 : memref<!tpu.dma_semaphore, #tpu.memory_space<semaphore_mem>>) src(%dma_wait3A_94 : memref<8192xi32, #tpu.memory_space<hbm>>) dst(%arg16 : memref<8192xi32, #tpu.memory_space<vmem>>)
      %dma_wait3A_95 = tpu.memref_slice %arg5[%mul3A_2] : memref<2097152xf32, #tpu.memory_space<hbm>> -> memref<8192xf32, #tpu.memory_space<hbm>>
      %dma_wait3A_96 = tpu.memref_slice %arg5[%mul3A_2] : memref<2097152xf32, #tpu.memory_space<hbm>> -> memref<8192xf32, #tpu.memory_space<hbm>>
      tpu.wait_dma2 semaphore(%arg22 : memref<!tpu.dma_semaphore, #tpu.memory_space<semaphore_mem>>) src(%dma_wait3A_96 : memref<8192xf32, #tpu.memory_space<hbm>>) dst(%arg18 : memref<8192xf32, #tpu.memory_space<vmem>>)
      %gt3A = arith.constant 0 : i32
      %gt3A_97 = arith.cmpi sgt, %scan3A_88, %gt3A : i32
      %convert_element_type3A = arith.extui %gt3A_97 : i1 to i32
      %cond3A = arith.constant 0 : i32
      %cond3A_98 = arith.cmpi ne, %convert_element_type3A, %cond3A : i32
      scf.if %cond3A_98 {
        %dma_wait3A_138 = tpu.memref_slice %arg14[%mul3A_2] : memref<2097152xf32, #tpu.memory_space<hbm>> -> memref<8192xf32, #tpu.memory_space<hbm>>
        %dma_wait3A_139 = tpu.memref_slice %arg14[%mul3A_2] : memref<2097152xf32, #tpu.memory_space<hbm>> -> memref<8192xf32, #tpu.memory_space<hbm>>
        tpu.wait_dma2 semaphore(%arg24 : memref<!tpu.dma_semaphore, #tpu.memory_space<semaphore_mem>>) src(%arg20 : memref<8192xf32, #tpu.memory_space<vmem>>) dst(%dma_wait3A_139 : memref<8192xf32, #tpu.memory_space<hbm>>)
      } else {
      }
      %parallel_loop3A = arith.constant 0 : i32
      %parallel_loop3A_99 = arith.constant 512 : i32
      %parallel_loop3A_100 = arith.constant 1 : i32
      scf.for %parallel_loop3A_138 = %parallel_loop3A to %parallel_loop3A_99 step %parallel_loop3A_100  : i32 {
        %parallel_loop3A_139 = arith.constant 16 : i32
        %parallel_loop3A_140 = arith.muli %parallel_loop3A_138, %parallel_loop3A_139 : i32
        %parallel_loop3A_141 = arith.index_cast %parallel_loop3A_140 : i32 to index
        %parallel_loop3A_142 = tpu.vector_load %arg18[%parallel_loop3A_141] {strides = array<i32>} : memref<8192xf32, #tpu.memory_space<vmem>>, vector<16xf32>,
        %parallel_loop3A_143 = arith.index_cast %parallel_loop3A_140 : i32 to index
        %parallel_loop3A_144 = tpu.vector_load %arg16[%parallel_loop3A_143] {strides = array<i32>} : memref<8192xi32, #tpu.memory_space<vmem>>, vector<16xi32>,
        %parallel_loop3A_145 = tpu.vector_load_idx %arg15[%parallel_loop3A_144] : memref<4096xf32, #tpu.memory_space<vmem>>[vector<16xi32>], vector<16xf32>,
        %parallel_loop3A_146 = arith.addf %parallel_loop3A_142, %parallel_loop3A_145 : vector<16xf32>
        %parallel_loop3A_147 = arith.index_cast %parallel_loop3A_140 : i32 to index
        %parallel_loop3A_148 = tpu.vector_load %arg20[%parallel_loop3A_147] {strides = array<i32>} : memref<8192xf32, #tpu.memory_space<vmem>>, vector<16xf32>,
        tpu.vector_store %arg20[%parallel_loop3A_147], %parallel_loop3A_146 {strides = array<i32>} : memref<8192xf32, #tpu.memory_space<vmem>>, vector<16xf32>,
      } {sc.loop_unroll_factor = 8 : i64, sc.parallel_access}
      %mul3A_101 = arith.constant 8192 : i32
      %mul3A_102 = arith.muli %add3A_92, %mul3A_101 : i32
      %add3A_103 = arith.addi %mul3A_2, %mul3A_102 : i32
      %dma_start3A_104 = tpu.memref_slice %arg14[%add3A_103] : memref<2097152xf32, #tpu.memory_space<hbm>> -> memref<8192xf32, #tpu.memory_space<hbm>>
      %dma_start3A_105 = tpu.memref_slice %arg14[%add3A_103] : memref<2097152xf32, #tpu.memory_space<hbm>> -> memref<8192xf32, #tpu.memory_space<hbm>>
      tpu.enqueue_dma source(%arg20 : memref<8192xf32, #tpu.memory_space<vmem>>) target(%dma_start3A_105 : memref<8192xf32, #tpu.memory_space<hbm>>) target_semaphore(%arg24 : memref<!tpu.dma_semaphore, #tpu.memory_space<semaphore_mem>>)
      %add3A_106 = arith.constant 2 : i32
      %add3A_107 = arith.addi %add3A_92, %add3A_106 : i32
      %lt3A = arith.constant 8 : i32
      %lt3A_108 = arith.cmpi slt, %add3A_107, %lt3A : i32
      %convert_element_type3A_109 = arith.extui %lt3A_108 : i1 to i32
      %cond3A_110 = arith.constant 0 : i32
      %cond3A_111 = arith.cmpi ne, %convert_element_type3A_109, %cond3A_110 : i32
      scf.if %cond3A_111 {
        %add3A_138 = arith.constant 2 : i32
        %add3A_139 = arith.addi %add3A_92, %add3A_138 : i32
        %mul3A_140 = arith.constant 8192 : i32
        %mul3A_141 = arith.muli %add3A_139, %mul3A_140 : i32
        %add3A_142 = arith.addi %mul3A_2, %mul3A_141 : i32
        %dma_start3A_143 = tpu.memref_slice %arg9[%add3A_142] : memref<2097152xi32, #tpu.memory_space<hbm>> -> memref<8192xi32, #tpu.memory_space<hbm>>
        %dma_start3A_144 = tpu.memref_slice %arg9[%add3A_142] : memref<2097152xi32, #tpu.memory_space<hbm>> -> memref<8192xi32, #tpu.memory_space<hbm>>
        tpu.enqueue_dma source(%dma_start3A_144 : memref<8192xi32, #tpu.memory_space<hbm>>) target(%arg16 : memref<8192xi32, #tpu.memory_space<vmem>>) target_semaphore(%arg22 : memref<!tpu.dma_semaphore, #tpu.memory_space<semaphore_mem>>)
        %dma_start3A_145 = tpu.memref_slice %arg5[%add3A_142] : memref<2097152xf32, #tpu.memory_space<hbm>> -> memref<8192xf32, #tpu.memory_space<hbm>>
        %dma_start3A_146 = tpu.memref_slice %arg5[%add3A_142] : memref<2097152xf32, #tpu.memory_space<hbm>> -> memref<8192xf32, #tpu.memory_space<hbm>>
        tpu.enqueue_dma source(%dma_start3A_146 : memref<8192xf32, #tpu.memory_space<hbm>>) target(%arg18 : memref<8192xf32, #tpu.memory_space<vmem>>) target_semaphore(%arg22 : memref<!tpu.dma_semaphore, #tpu.memory_space<semaphore_mem>>)
      } else {
      }
      %add3A_112 = arith.constant 1 : i32
      %add3A_113 = arith.addi %mul3A_90, %add3A_112 : i32
      %dma_wait3A_114 = tpu.memref_slice %arg9[%mul3A_2] : memref<2097152xi32, #tpu.memory_space<hbm>> -> memref<8192xi32, #tpu.memory_space<hbm>>
      %dma_wait3A_115 = tpu.memref_slice %arg9[%mul3A_2] : memref<2097152xi32, #tpu.memory_space<hbm>> -> memref<8192xi32, #tpu.memory_space<hbm>>
      tpu.wait_dma2 semaphore(%arg23 : memref<!tpu.dma_semaphore, #tpu.memory_space<semaphore_mem>>) src(%dma_wait3A_115 : memref<8192xi32, #tpu.memory_space<hbm>>) dst(%arg17 : memref<8192xi32, #tpu.memory_space<vmem>>)
      %dma_wait3A_116 = tpu.memref_slice %arg5[%mul3A_2] : memref<2097152xf32, #tpu.memory_space<hbm>> -> memref<8192xf32, #tpu.memory_space<hbm>>
      %dma_wait3A_117 = tpu.memref_slice %arg5[%mul3A_2] : memref<2097152xf32, #tpu.memory_space<hbm>> -> memref<8192xf32, #tpu.memory_space<hbm>>
      tpu.wait_dma2 semaphore(%arg23 : memref<!tpu.dma_semaphore, #tpu.memory_space<semaphore_mem>>) src(%dma_wait3A_117 : memref<8192xf32, #tpu.memory_space<hbm>>) dst(%arg19 : memref<8192xf32, #tpu.memory_space<vmem>>)
      %gt3A_118 = arith.constant 0 : i32
      %gt3A_119 = arith.cmpi sgt, %scan3A_88, %gt3A_118 : i32
      %convert_element_type3A_120 = arith.extui %gt3A_119 : i1 to i32
      %cond3A_121 = arith.constant 0 : i32
      %cond3A_122 = arith.cmpi ne, %convert_element_type3A_120, %cond3A_121 : i32
      scf.if %cond3A_122 {
        %dma_wait3A_138 = tpu.memref_slice %arg14[%mul3A_2] : memref<2097152xf32, #tpu.memory_space<hbm>> -> memref<8192xf32, #tpu.memory_space<hbm>>
        %dma_wait3A_139 = tpu.memref_slice %arg14[%mul3A_2] : memref<2097152xf32, #tpu.memory_space<hbm>> -> memref<8192xf32, #tpu.memory_space<hbm>>
        tpu.wait_dma2 semaphore(%arg25 : memref<!tpu.dma_semaphore, #tpu.memory_space<semaphore_mem>>) src(%arg21 : memref<8192xf32, #tpu.memory_space<vmem>>) dst(%dma_wait3A_139 : memref<8192xf32, #tpu.memory_space<hbm>>)
      } else {
      }
      %parallel_loop3A_123 = arith.constant 0 : i32
      %parallel_loop3A_124 = arith.constant 512 : i32
      %parallel_loop3A_125 = arith.constant 1 : i32
      scf.for %parallel_loop3A_138 = %parallel_loop3A_123 to %parallel_loop3A_124 step %parallel_loop3A_125  : i32 {
        %parallel_loop3A_139 = arith.constant 16 : i32
        %parallel_loop3A_140 = arith.muli %parallel_loop3A_138, %parallel_loop3A_139 : i32
        %parallel_loop3A_141 = arith.index_cast %parallel_loop3A_140 : i32 to index
        %parallel_loop3A_142 = tpu.vector_load %arg19[%parallel_loop3A_141] {strides = array<i32>} : memref<8192xf32, #tpu.memory_space<vmem>>, vector<16xf32>,
        %parallel_loop3A_143 = arith.index_cast %parallel_loop3A_140 : i32 to index
        %parallel_loop3A_144 = tpu.vector_load %arg17[%parallel_loop3A_143] {strides = array<i32>} : memref<8192xi32, #tpu.memory_space<vmem>>, vector<16xi32>,
        %parallel_loop3A_145 = tpu.vector_load_idx %arg15[%parallel_loop3A_144] : memref<4096xf32, #tpu.memory_space<vmem>>[vector<16xi32>], vector<16xf32>,
        %parallel_loop3A_146 = arith.addf %parallel_loop3A_142, %parallel_loop3A_145 : vector<16xf32>
        %parallel_loop3A_147 = arith.index_cast %parallel_loop3A_140 : i32 to index
        %parallel_loop3A_148 = tpu.vector_load %arg21[%parallel_loop3A_147] {strides = array<i32>} : memref<8192xf32, #tpu.memory_space<vmem>>, vector<16xf32>,
        tpu.vector_store %arg21[%parallel_loop3A_147], %parallel_loop3A_146 {strides = array<i32>} : memref<8192xf32, #tpu.memory_space<vmem>>, vector<16xf32>,
      } {sc.loop_unroll_factor = 8 : i64, sc.parallel_access}
      %mul3A_126 = arith.constant 8192 : i32
      %mul3A_127 = arith.muli %add3A_113, %mul3A_126 : i32
      %add3A_128 = arith.addi %mul3A_2, %mul3A_127 : i32
      %dma_start3A_129 = tpu.memref_slice %arg14[%add3A_128] : memref<2097152xf32, #tpu.memory_space<hbm>> -> memref<8192xf32, #tpu.memory_space<hbm>>
      %dma_start3A_130 = tpu.memref_slice %arg14[%add3A_128] : memref<2097152xf32, #tpu.memory_space<hbm>> -> memref<8192xf32, #tpu.memory_space<hbm>>
      tpu.enqueue_dma source(%arg21 : memref<8192xf32, #tpu.memory_space<vmem>>) target(%dma_start3A_130 : memref<8192xf32, #tpu.memory_space<hbm>>) target_semaphore(%arg25 : memref<!tpu.dma_semaphore, #tpu.memory_space<semaphore_mem>>)
      %add3A_131 = arith.constant 2 : i32
      %add3A_132 = arith.addi %add3A_113, %add3A_131 : i32
      %lt3A_133 = arith.constant 8 : i32
      %lt3A_134 = arith.cmpi slt, %add3A_132, %lt3A_133 : i32
      %convert_element_type3A_135 = arith.extui %lt3A_134 : i1 to i32
      %cond3A_136 = arith.constant 0 : i32
      %cond3A_137 = arith.cmpi ne, %convert_element_type3A_135, %cond3A_136 : i32
      scf.if %cond3A_137 {
        %add3A_138 = arith.constant 2 : i32
        %add3A_139 = arith.addi %add3A_113, %add3A_138 : i32
        %mul3A_140 = arith.constant 8192 : i32
        %mul3A_141 = arith.muli %add3A_139, %mul3A_140 : i32
        %add3A_142 = arith.addi %mul3A_2, %mul3A_141 : i32
        %dma_start3A_143 = tpu.memref_slice %arg9[%add3A_142] : memref<2097152xi32, #tpu.memory_space<hbm>> -> memref<8192xi32, #tpu.memory_space<hbm>>
        %dma_start3A_144 = tpu.memref_slice %arg9[%add3A_142] : memref<2097152xi32, #tpu.memory_space<hbm>> -> memref<8192xi32, #tpu.memory_space<hbm>>
        tpu.enqueue_dma source(%dma_start3A_144 : memref<8192xi32, #tpu.memory_space<hbm>>) target(%arg17 : memref<8192xi32, #tpu.memory_space<vmem>>) target_semaphore(%arg23 : memref<!tpu.dma_semaphore, #tpu.memory_space<semaphore_mem>>)
        %dma_start3A_145 = tpu.memref_slice %arg5[%add3A_142] : memref<2097152xf32, #tpu.memory_space<hbm>> -> memref<8192xf32, #tpu.memory_space<hbm>>
        %dma_start3A_146 = tpu.memref_slice %arg5[%add3A_142] : memref<2097152xf32, #tpu.memory_space<hbm>> -> memref<8192xf32, #tpu.memory_space<hbm>>
        tpu.enqueue_dma source(%dma_start3A_146 : memref<8192xf32, #tpu.memory_space<hbm>>) target(%arg19 : memref<8192xf32, #tpu.memory_space<vmem>>) target_semaphore(%arg23 : memref<!tpu.dma_semaphore, #tpu.memory_space<semaphore_mem>>)
      } else {
      }
    }
    %scan3A_83 = arith.constant 4 : i32
    %dma_wait3A_84 = tpu.memref_slice %arg14[%mul3A_2] : memref<2097152xf32, #tpu.memory_space<hbm>> -> memref<8192xf32, #tpu.memory_space<hbm>>
    %dma_wait3A_85 = tpu.memref_slice %arg14[%mul3A_2] : memref<2097152xf32, #tpu.memory_space<hbm>> -> memref<8192xf32, #tpu.memory_space<hbm>>
    tpu.wait_dma2 semaphore(%arg24 : memref<!tpu.dma_semaphore, #tpu.memory_space<semaphore_mem>>) src(%arg20 : memref<8192xf32, #tpu.memory_space<vmem>>) dst(%dma_wait3A_85 : memref<8192xf32, #tpu.memory_space<hbm>>)
    %dma_wait3A_86 = tpu.memref_slice %arg14[%mul3A_2] : memref<2097152xf32, #tpu.memory_space<hbm>> -> memref<8192xf32, #tpu.memory_space<hbm>>
    %dma_wait3A_87 = tpu.memref_slice %arg14[%mul3A_2] : memref<2097152xf32, #tpu.memory_space<hbm>> -> memref<8192xf32, #tpu.memory_space<hbm>>
    tpu.wait_dma2 semaphore(%arg25 : memref<!tpu.dma_semaphore, #tpu.memory_space<semaphore_mem>>) src(%arg21 : memref<8192xf32, #tpu.memory_space<vmem>>) dst(%dma_wait3A_87 : memref<8192xf32, #tpu.memory_space<hbm>>)
    return
  }
}

</mosaic_0001>

<sc_bundles>
// kernel: kernel.3.cloned.1.call-start
scs
__scs_entry_jumppad:
0x0: {  	(pc) =	sbr.rel $0x88, $3  }
0x1: {  	(tag) =	ssettag $0x0;
	lr =	simm.s32 $0x1  }
0x2: {  	[smem:$0x3F9E] =	sst lr;
	_ =	strace $0xD0000000  }
0x3: {  	_ = 	snop  }
0x4: {  	_ = 	snop  }
0x5: {  	_ = 	snop  }
0x6: {  	_ = 	snop  }
0x7: {  	_ = 	snop  }
__scs_overlays_trampoline_lowered:
0x8: {  	[smem:$0x3FAD] =	sst s0  }
0x9: {  	[smem:$0x3FAE] =	sst s1  }
0xa: {  	[smem:$0x3FAF] =	sst s2  }
0xb: {  	[smem:$0x3FB0] =	sst s3  }
0xc: {  	[smem:$0x3FB1] =	sst s4  }
0xd: {  	[smem:$0x3FB2] =	sst s5  }
0xe: {  	[smem:$0x3FB3] =	sst s6  }
0xf: {  	[smem:$0x3FB4] =	sst s7  }
0x10: {  	[smem:$0x3FB5] =	sst s8  }
0x11: {  	[smem:$0x3FB6] =	sst s9;
	s0 =	simm.s32 @!p0 $0x0  }
0x12: {  	s1 =	sld [smem:$0x3F9C];
	s0 =	simm.s32 @p0 $0x1  }
0x13: {  	[smem:$0x3FB7] =	sst s0;
	s0 =	simm.s32 @!p1 $0x0  }
0x14: {  	s2 =	sld [smem:$0x3F9B];
	s0 =	simm.s32 @p1 $0x1  }
0x15: {  	[smem:$0x3FB8] =	sst s0;
	s0 =	simm.s32 @!p2 $0x0  }
0x16: {  	s3 =	sld [smem:$0x3FDB];
	s0 =	simm.s32 @p2 $0x1  }
0x17: {  	s4 =	simm.s32 $0x1BF5;
	[smem:$0x3FBA] =	sst s0  }
0x18: {  	s0 =	sld [smem:$0x3F9D];
	_ =	swait.ge [sflag:s4], $0x0  }
0x19: {  	s7 =	sld [smem:$0x3F9E]  }
0x1a: {  	s8 =	sadd.s32 $0xFFFFE003, lr  }
0x1b: {  	s9 =	sadd.s32 $0xFFFFFEF7, lr;
	s5 =	simm.s32 $0xFFFFFFFF;
	p2 =	slt.u32 s8, $0xFFFFF086  }
0x1c: {  	p1 =	slt.u32 s9, $0xF7A;
	s5 =	simm.s32 @!p2 $0x0  }
0x1d: {  	s5 =	simm.s32 @p1 $0x1;
	p0 =	seq.s32 s7, s2  }
0x1e: {  	s7 =	smul.u32 @!p0 $0xF7A, s2;
	p2 =	seq.s32 @!p0 s5, $0x0  }
0x1f: {  	s9 =	smul.u32 $0xF7A, s1;
	s8 =	simm.s32 @!p0 $0x1BF5;
	p2 =	por !p2, p0  }
0x20: {  	[sflag:s8] =	ssyncset.s32 @!p0 $0xFFFFF086;
	s6 =	sadd.s32 @!p0 s3, s7;
	s7 =	simm.s32 @!p0 $0x108  }
0x21: {  	s3 =	sadd.s32 s3, s9;
	s6 =	sadd.s32 @!p0 $0x88, s6;
	s7 =	simm.s32 @p2 $0x1082  }
0x22: {  	[simem:s7], [sflag:s8] =	dma.local @!p0 [hbm:s6], $0xF7A  }
0x23: {  	s9 =	sor.u32 $0xD0000000, s2;
	s6 =	simm.s32 $0x108;
	_ =	swait.ge @!p0 [sflag:s8], $0x0  }
0x24: {  	s3 =	sadd.s32 $0x88, s3;
	s6 =	simm.s32 @!p1 $0x1082;
	[sflag:s4] =	ssyncset.s32 $0xFFFFF086  }
0x25: {  	[simem:s6], [sflag:s4] =	dma.local [hbm:s3], $0xF7A  }
0x26: {  	[smem:$0x3F9E] =	sst s1;
	(tag) =	ssettag s2;
	_ =	strace s9  }
0x27: {  	s1 =	sld [smem:$0x3FAE]  }
0x28: {  	s2 =	sld [smem:$0x3FAF]  }
0x29: {  	s4 =	sld [smem:$0x3FB1]  }
0x2a: {  	p0 =	seq.s32 s5, $0x0;
	s5 =	sld [smem:$0x3FB2]  }
0x2b: {  	s6 =	sld [smem:$0x3FB3]  }
0x2c: {  	s7 =	sld [smem:$0x3FB4]  }
0x2d: {  	s3 =	simm.s32 $0x108;
	s8 =	sld [smem:$0x3FB5]  }
0x2e: {  	s3 =	simm.s32 @!p0 $0x1082;
	s9 =	sld [smem:$0x3FB6]  }
0x2f: {  	lr =	sadd.s32 s0, s3;
	s0 =	sld [smem:$0x3FAD]  }
0x30: {  	s3 =	sld [smem:$0x3FB0]  }
0x31: {  	[smem:$0x3FB9] =	sst s10  }
0x32: {  	s10 =	sld [smem:$0x3FB7];
	_ =	sdelay $0x3  }
0x33: {  	p0 =	seq.s32 s10, $0x1;
	s10 =	sld [smem:$0x3FB9];
	_ =	sdelay $0x3  }
0x34: {  	[smem:$0x3FB9] =	sst s10  }
0x35: {  	s10 =	sld [smem:$0x3FB8];
	_ =	sdelay $0x3  }
0x36: {  	p1 =	seq.s32 s10, $0x1;
	s10 =	sld [smem:$0x3FB9];
	_ =	sdelay $0x3  }
0x37: {  	[smem:$0x3FB9] =	sst s10  }
0x38: {  	s10 =	sld [smem:$0x3FBA]  }
0x39: {  	_ = 	snop;
	(pc) =	sbr.ind lr, $3  }
0x3a: {  	_ = 	snop  }
0x3b: {  	_ = 	snop  }
0x3c: {  	p2 =	seq.s32 s10, $0x1;
	s10 =	sld [smem:$0x3FB9]  }
0x3d: {  	_ =	shalt  }
0x3e: {  	_ =	shalt  }
0x3f: {  	_ =	shalt  }
0x40: {  	_ =	shalt  }
0x41: {  	_ =	shalt  }
0x42: {  	_ =	shalt  }
0x43: {  	_ =	shalt  }
0x44: {  	_ =	shalt  }
0x45: {  	_ =	shalt  }
0x46: {  	_ =	shalt  }
0x47: {  	_ =	shalt  }
0x48: {  	_ =	shalt  }
0x49: {  	_ =	shalt  }
0x4a: {  	_ =	shalt  }
0x4b: {  	_ =	shalt  }
0x4c: {  	_ =	shalt  }
0x4d: {  	_ =	shalt  }
0x4e: {  	_ =	shalt  }
0x4f: {  	_ =	shalt  }
0x50: {  	_ =	shalt  }
0x51: {  	_ =	shalt  }
0x52: {  	_ =	shalt  }
0x53: {  	_ =	shalt  }
0x54: {  	_ =	shalt  }
0x55: {  	_ =	shalt  }
0x56: {  	_ =	shalt  }
0x57: {  	_ =	shalt  }
0x58: {  	_ =	shalt  }
0x59: {  	_ =	shalt  }
0x5a: {  	_ =	shalt  }
0x5b: {  	_ =	shalt  }
0x5c: {  	_ =	shalt  }
0x5d: {  	_ =	shalt  }
0x5e: {  	_ =	shalt  }
0x5f: {  	_ =	shalt  }
0x60: {  	_ =	shalt  }
0x61: {  	_ =	shalt  }
0x62: {  	_ =	shalt  }
0x63: {  	_ =	shalt  }
0x64: {  	_ =	shalt  }
0x65: {  	_ =	shalt  }
0x66: {  	_ =	shalt  }
0x67: {  	_ =	shalt  }
0x68: {  	_ =	shalt  }
0x69: {  	_ =	shalt  }
0x6a: {  	_ =	shalt  }
0x6b: {  	_ =	shalt  }
0x6c: {  	_ =	shalt  }
0x6d: {  	_ =	shalt  }
0x6e: {  	_ =	shalt  }
0x6f: {  	_ =	shalt  }
0x70: {  	_ =	shalt  }
0x71: {  	_ =	shalt  }
0x72: {  	_ =	shalt  }
0x73: {  	_ =	shalt  }
0x74: {  	_ =	shalt  }
0x75: {  	_ =	shalt  }
0x76: {  	_ =	shalt  }
0x77: {  	_ =	shalt  }
0x78: {  	_ =	shalt  }
0x79: {  	_ =	shalt  }
0x7a: {  	_ =	shalt  }
0x7b: {  	_ =	shalt  }
0x7c: {  	_ =	shalt  }
0x7d: {  	_ =	shalt  }
0x7e: {  	_ =	shalt  }
0x7f: {  	_ =	shalt  }
0x80: {  	_ =	shalt  }
0x81: {  	_ =	shalt  }
0x82: {  	_ =	shalt  }
0x83: {  	_ =	shalt  }
0x84: {  	_ =	shalt  }
0x85: {  	_ =	shalt  }
0x86: {  	_ =	shalt  }
0x87: {  	_ =	shalt  }
.Lfunc_end0:
.L_simem_size_0:
called_computation_lowered:
.L_overlay_start_0:
0x88: {  	s2 =	sld [smem:$0x3FD9]  }
0x89: {  	s3 =	sld [smem:$0x3FFE];
	_ =	sdelay $0x1  }
0x8a: {  	s1 =	srdreg.scid  }
0x8b: {  	s0 =	sand.u32 $0x1, s1  }
0x8c: {  	s17 =	sshll.u32 s0, $0xA;
	s2 =	sadd.s32 s3, s2  }
0x8d: {  	s2 =	sadd.s32 s2, s17  }
0x8e: {  	[smem:$0x3FC5] =	sst s2  }
0x8f: {  	_ = 	snop  }
0x90: {  	s2 =	sld [smem:$0x3FC7]  }
0x91: {  	s18 =	sld [smem:$0x3FD0];
	(tm) =	ssettm $0x1  }
0x92: {  	s4 =	sld [smem:$0x3FFB];
	_ =	sdelay $0x3  }
0x93: {  	_ =	strace s4  }
0x94: {  	s4 =	sld [smem:$0x3FFC];
	_ =	sdelay $0x3  }
0x95: {  	_ =	strace s4  }
0x96: {  	s4 =	sld [smem:$0x3FFD];
	_ =	sdelay $0x3  }
0x97: {  	_ =	strace s4  }
0x98: {  	_ =	strace $0x8FFFFFFF  }
0x99: {  	s19 =	sld [smem:$0x3FDB];
	_ =	sdelay $0x1  }
0x9a: {  	s5 =	simm.s32 $_scs_section_size  }
0x9b: {  	s6 =	simm.s32 $_size__tile_overlayer_lowered;
	s7 =	simm.s32 $_tile_overlayer_lowered  }
0x9c: {  	s22 =	simm.s32 $0x1BFF;
	s21 =	sshll.u32 s7, $0x1;
	s4 =	sadd.s32 s5, s19  }
0x9d: {  	s8 =	simm.s32 $0x0;
	s20 =	sshll.u32 s6, $0x1;
	s6 =	sadd.s32 s21, s4  }
0x9e: {  	[timem:s8], [sflag:s22] =	dma.local [hbm:s6], s20  }
0x9f: {  	_ =	swait.ge [sflag:s22], s20  }
0xa0: {  	s5 =	ssub.s32 $0x0, s20;
	[sflag:s22] =	ssyncset.done $0x0  }
0xa1: {  	[sflag:s22] =	ssyncadd.s32 s5;
	_ =	sdelay $0x1  }
0xa2: {  	s23 =	simm.s32 $0x1B8B  }
0xa3: {  	_ =	swait.ge [sflag:s23], $0x1  }
0xa4: {  	[sflag:s23] =	ssyncset.done $0x0  }
0xa5: {  	s25 =	simm.s32 $0x1B8E;
	s24 =	sld [smem:$0x3FFE];
	[sflag:s23] =	ssyncadd.s32 $0xFFFFFFFF  }
0xa6: {  	s26 =	simm.s32 $execute0_lowered;
	[smem:$0x3FD2] =	sst s25  }
0xa7: {  	s6 =	sshll.u32 s26, $0x1;
	_ =	strace $0x80000046;
	[dreg:$0x1] =	wrdreg $0xFFFFFFFF  }
0xa8: {  	s28 =	simm.s32 $_size_execute0_lowered;
	s4 =	sadd.s32 s4, s6;
	[dreg:$0x0] =	wrdreg $0x0  }
0xa9: {  	s6 =	sshll.u32 s28, $0x1;
	[dreg:$0x2] =	wrdreg s4  }
0xaa: {  	[dreg:$0x3] =	wrdreg s6  }
0xab: {  	[dreg:$0x4] =	wrdreg $0xC0  }
0xac: {  	_ =	task [dreg:s8], $0x5FFFF  }
0xad: {  	[dreg:$0x1] =	wrdreg $0xFFFFFFFF  }
0xae: {  	[dreg:$0x0] =	wrdreg $0x60  }
0xaf: {  	[dreg:$0x2] =	wrdreg s24  }
0xb0: {  	[dreg:$0x3] =	wrdreg s18  }
0xb1: {  	[dreg:$0x4] =	wrdreg s2  }
0xb2: {  	[dreg:$0x5] =	wrdreg $0x9  }
0xb3: {  	_ =	task.clear_ibuf [dreg:s8], $0x6FFFF;
	_ =	strace $0x90000046  }
0xb4: {  	s29 =	simm.s32 $0x9;
	_ =	strace $0x80000048  }
0xb5: {  	_ =	swait.ge [sflag:s29], $0x1  }
0xb6: {  	[sflag:s29] =	ssyncadd.s32 $0xFFFFFFFF  }
0xb7: {  	_ =	strace $0x90000048  }
0xb8: {  	_ =	sfence  }
0xb9: {  	s30 =	sld [smem:$0x0];
	_ =	sdelay $0x2  }
0xba: {  	s31 =	sshll.u32 s1, $0xD;
	s1 =	sshrl.u32 s1, $0x2  }
0xbb: {  	s3 =	sand.u32 $0x4000, s31;
	s1 =	sadd.s32 s1, s30  }
0xbc: {  	s0 =	sor.u32 s3, s0;
	s1 =	sshll.u32 s1, $0x11  }
0xbd: {  	s0 =	sor.u32 s1, s0  }
0xbe: {  	s0 =	sadd.s32 $0x8F2B, s0  }
0xbf: {  	[sflag:s0] =	ssyncadd.remote.s32 $0x1  }
0xc0: {  	_ =	sfence.sel $0xFFFF  }
0xc1: {  	[dreg:$0x0] =	wrdreg $0xFFFFFFFF;
	(pc) =	sbr.abs _section_cstart, $3  }
0xc2: {  	[dreg:$0x1] =	wrdreg $0xFFFFFFFF  }
0xc3: {  	_ =	task.clear_ibuf [dreg:s8], $0x2FFFF;
	_ =	strace $0x9FFFFFFF  }
0xc4: {  	(tm) =	ssettm $0x7FFFFFFF  }
0xc5: {  	_ =	shalt  }
tec
execute0_lowered:
.L_overlay_start_1:
0x0: {  	(tag) =	ssettag $0x1  }
0x1: {  	s0 =	rddreg [dreg:$0x0]  }
0x2: {  	s1 =	rddreg [dreg:$0x1];
	s3 =	simm.s32 $0x0;
	s2 =	srdreg.scid  }
0x3: {  	s9 =	stileid.u32;
	[smem:$0x7FF] =	sst s3  }
0x4: {  	s4 =	sadd.s32 $0x80E00, s0;
	s5 =	sadd.s32 $0x40E00, s0;
	s2 =	sand.u32 $0x1, s2  }
0x5: {  	s6 =	sadd.s32 $0xE00, s0;
	s9 =	sshll.u32 s9, $0x11;
	s15 =	sshll.u32 s2, $0x10  }
0x6: {  	s7 =	sadd.s32 $0x180E00, s0;
	s8 =	sadd.s32 $0x140E00, s0;
	s15 =	sor.u32 s15, s9  }
0x7: {  	s10 =	sadd.s32 $0x100E00, s0;
	s11 =	sadd.s32 $0xC0E00, s0;
	s9 =	sshrl.u32 s15, $0x3  }
0x8: {  	s12 =	sadd.s32 $0x1C0E00, s0;
	s13 =	sadd.s32 $0x200E00, s0;
	s25 =	sadd.s32 s7, s9  }
0x9: {  	_ =	strace $0x80000047;
	s26 =	sadd.s32 s4, s9;
	[dreg:$0x4] =	wrdreg s25  }
0xa: {  	s14 =	sadd.s32 $0x240E00, s0;
	s17 =	sadd.s32 s8, s9;
	[dreg:$0x5] =	wrdreg s26  }
0xb: {  	s16 =	sadd.s32 $0x280E00, s0;
	s29 =	sadd.s32 s5, s9;
	[dreg:$0x6] =	wrdreg s17  }
0xc: {  	s2 =	ssub.s32 $0x2, s2;
	s18 =	sadd.s32 s10, s9;
	[dreg:$0x7] =	wrdreg s29  }
0xd: {  	s24 =	sshrl.u32 s2, $0x1;
	s19 =	sadd.s32 s6, s9;
	[dreg:$0x8] =	wrdreg s18  }
0xe: {  	s0 =	ssub.s32 s2, s24;
	s20 =	sadd.s32 s11, s9;
	[dreg:$0x9] =	wrdreg s19  }
0xf: {  	s2 =	sor.u32 $0x400, s9;
	s9 =	sadd.s32 s1, s9;
	[dreg:$0xa] =	wrdreg s20  }
0x10: {  	s0 =	smax.u32 s0, $0x1;
	[dreg:$0xb] =	wrdreg s9  }
0x11: {  	s21 =	sadd.s32 s7, s2;
	[dreg:$0x14] =	wrdreg s0  }
0x12: {  	s22 =	sadd.s32 s4, s2;
	[dreg:$0xc] =	wrdreg s21  }
0x13: {  	s28 =	simm.s32 $0xB000;
	s23 =	sadd.s32 s8, s2;
	[dreg:$0xd] =	wrdreg s22  }
0x14: {  	s30 =	simm.s32 $0x4;
	s24 =	sadd.s32 s5, s2;
	[dreg:$0xe] =	wrdreg s23  }
0x15: {  	s31 =	simm.s32 $0x0;
	s25 =	sadd.s32 s10, s2;
	[dreg:$0xf] =	wrdreg s24  }
.Ltmp0:
0x16: {  	s26 =	sadd.s32 s6, s2;
	[dreg:$0x10] =	wrdreg s25;
	(pc) =	sbr.rel .LBB2_1-.Ltmp0, $4  }
0x17: {  	s29 =	sadd.s32 s11, s2;
	s2 =	sadd.s32 s1, s2;
	[dreg:$0x11] =	wrdreg s26  }
0x18: {  	s17 =	sor.u32 $0x4000, s15;
	s18 =	sor.u32 $0x6000, s15;
	[dreg:$0x12] =	wrdreg s29  }
0x19: {  	[dreg:$0x13] =	wrdreg s2;
	s22 =	simm.s32 $0x3000;
	s23 =	simm.s32 $0x7000  }
0x1a: {  	s24 =	simm.s32 $0x1;
	s25 =	simm.s32 $0x9000;
	s26 =	simm.s32 $0x2  }
.LBB2_29:
0x1b: {  	s0 =	simm.s32 $0x3  }
0x1c: {  	_ =	swait.ge [sflag:s0], $0x2000  }
0x1d: {  	[sflag:s0] =	ssyncset.done $0x0  }
0x1e: {  	[sflag:s0] =	ssyncadd.s32 $0xFFFFE000  }
0x1f: {  	_ =	swait.ge [sflag:s30], $0x2000  }
0x20: {  	s31 =	sadd.s32 $0x1, s31;
	s29 =	rddreg [dreg:$0x14]  }
0x21: {  	p0 =	sne.s32 s31, s29  }
.Ltmp1:
0x22: {  	_ = 	snop;
	(pc) =	sbr.rel @!p0 .LBB2_30-.Ltmp1, $3  }
0x23: {  	_ =	sdelay $0x1  }
0x24: {  	[sflag:s30] =	ssyncset.done $0x0  }
0x25: {  	[sflag:s30] =	ssyncadd.s32 $0xFFFFE000  }
.LBB2_1:
0x26: {  	s0 =	rddreg [dreg:$0x2];
	s2 =	simm.s32 $0x5  }
0x27: {  	[tilespmem:s3], [sflag:$0x5] =	stream.linear.gather [hbm4b:s0+s3], $0x1000, $0x38;
	[tilespmem:$0xD000] =	vst v63  }
0x28: {  	_ =	swait.ge [sflag:s2], $0x1000  }
0x29: {  	[sflag:s2] =	ssyncset.done $0x0  }
0x2a: {  	s9 =	rddreg [dreg:$0x4];
	[sflag:s2] =	ssyncadd.s32 $0xFFFFF000;
	s2 =	simm.s32 $0x1000  }
0x2b: {  	[tilespmem:s2], [sflag:$0x1] =	stream.linear.gather [hbm4b:s9+s3], $0x2000, $0x38;
	[tilespmem:$0xD000] =	vst v63  }
0x2c: {  	s20 =	simm.s32 $0x5000;
	s19 =	rddreg [dreg:$0x5]  }
0x2d: {  	[tilespmem:s20], [sflag:$0x1] =	stream.linear.gather [hbm4b:s19+s3], $0x2000, $0x38;
	[tilespmem:$0xD000] =	vst v63  }
0x2e: {  	s21 =	rddreg [dreg:$0xc]  }
0x2f: {  	[tilespmem:s22], [sflag:$0x2] =	stream.linear.gather [hbm4b:s21+s3], $0x2000, $0x38;
	[tilespmem:$0xD000] =	vst v63  }
0x30: {  	s0 =	simm.s32 $0x0;
	s29 =	rddreg [dreg:$0xd]  }
0x31: {  	[tilespmem:s23], [sflag:$0x2] =	stream.linear.gather [hbm4b:s29+s3], $0x2000, $0x38;
	[tilespmem:$0xD000] =	vst v63  }
.LBB2_2:
0x32: {  	_ =	swait.ge [sflag:s24], $0x2000  }
0x33: {  	[sflag:s24] =	ssyncset.done $0x0  }
0x34: {  	[sflag:s24] =	ssyncadd.s32 $0xFFFFE000  }
0x35: {  	_ =	swait.ge [sflag:s24], $0x2000  }
0x36: {  	p0 =	seq.s32 s0, $0x0;
	[sflag:s24] =	ssyncset.done $0x0  }
0x37: {  	s2 =	simm.s32 @!p0 $0x3;
	[sflag:s24] =	ssyncadd.s32 $0xFFFFE000  }
0x38: {  	_ =	swait.ge @!p0 [sflag:s2], $0x2000  }
0x39: {  	[sflag:s2] =	ssyncset.done @!p0 $0x0  }
0x3a: {  	s29 =	simm.s32 $0x1040;
	[sflag:s2] =	ssyncadd.s32 @!p0 $0xFFFFE000  }
0x3b: {  	v0 =	vld [tilespmem:s29+$0x30]  }
0x3c: {  	v1 =	vld [tilespmem:s29+$0xFFFFFFC0]  }
0x3d: {  	v2 =	vld [tilespmem:s29+$0xFFFFFFD0]  }
0x3e: {  	v3 =	vld [tilespmem:s29+$0xFFFFFFE0]  }
0x3f: {  	v4 =	vld [tilespmem:s29+$0xFFFFFFF0]  }
0x40: {  	v5 =	vld [tilespmem:s29+$0x0]  }
0x41: {  	v6 =	vld [tilespmem:s29+$0x10]  }
0x42: {  	s2 =	simm.s32 $0x5040;
	v7 =	vld [tilespmem:s29+$0x20]  }
0x43: {  	v10 =	vld [tilespmem:s2+$0x30]  }
0x44: {  	v13 =	vld [tilespmem:s2+$0xFFFFFFD0]  }
0x45: {  	v14 =	vld [tilespmem:s2+$0xFFFFFFE0]  }
0x46: {  	v9 =	vld [tilespmem:s2+$0xFFFFFFF0]  }
0x47: {  	v8 =	vld.idx.msk [tilespmem:v0+s3+$0x0], $0xffff  }
0x48: {  	v0 =	vld.idx.msk [tilespmem:v1+s3+$0x0], $0xffff  }
0x49: {  	v11 =	vld.idx.msk [tilespmem:v2+s3+$0x0], $0xffff  }
0x4a: {  	v12 =	vld.idx.msk [tilespmem:v3+s3+$0x0], $0xffff  }
0x4b: {  	v4 =	vld.idx.msk [tilespmem:v4+s3+$0x0], $0xffff  }
0x4c: {  	v3 =	vld.idx.msk [tilespmem:v5+s3+$0x0], $0xffff  }
0x4d: {  	v2 =	vld.idx.msk [tilespmem:v6+s3+$0x0], $0xffff  }
0x4e: {  	v1 =	vld.idx.msk [tilespmem:v7+s3+$0x0], $0xffff  }
0x4f: {  	v7 =	vld [tilespmem:s2+$0x0]  }
0x50: {  	v6 =	vld [tilespmem:s2+$0x10];
	v8 =	vadd.f32 v8, v10  }
0x51: {  	s19 =	simm.s32 $0x9040;
	v5 =	vld [tilespmem:s2+$0x20];
	v11 =	vadd.f32 v11, v13  }
0x52: {  	s9 =	sshll.u32 s0, $0xE;
	s20 =	simm.s32 $0x0;
	s21 =	simm.s32 $0x10C0;
	v10 =	vadd.f32 v12, v14;
	[tilespmem:s19+$0x30] =	vst v8;
	v8 =	vld [tilespmem:s2+$0xFFFFFFC0]  }
.LBB2_3:
0x53: {  	v12 =	vld [tilespmem:s21+$0x30];
	s20 =	sadd.s32 $0x8, s20;
	[tilespmem:s19+$0xFFFFFFD0] =	vst v11;
	v4 =	vadd.f32 v4, v9  }
0x54: {  	v9 =	vld [tilespmem:s21+$0xFFFFFFC0];
	p1 =	slt.u32 s20, $0x1F8;
	[tilespmem:s19+$0xFFFFFFE0] =	vst v10;
	v3 =	vadd.f32 v3, v7  }
0x55: {  	v7 =	vld [tilespmem:s21+$0xFFFFFFD0];
	[tilespmem:s19+$0xFFFFFFF0] =	vst v4;
	v2 =	vadd.f32 v2, v6  }
0x56: {  	v4 =	vld [tilespmem:s21+$0xFFFFFFE0];
	[tilespmem:s19+$0x0] =	vst v3;
	v1 =	vadd.f32 v1, v5  }
0x57: {  	v3 =	vld [tilespmem:s21+$0xFFFFFFF0];
	v0 =	vadd.f32 v0, v8;
	[tilespmem:s19+$0x10] =	vst v2  }
0x58: {  	v2 =	vld [tilespmem:s21+$0x0];
	[tilespmem:s19+$0x20] =	vst v1  }
0x59: {  	v1 =	vld [tilespmem:s21+$0x10];
	[tilespmem:s19+$0xFFFFFFC0] =	vst v0  }
0x5a: {  	v5 =	vld [tilespmem:s21+$0x20]  }
0x5b: {  	s2 =	sadd.s32 $0x80, s2;
	v6 =	vld.idx.msk [tilespmem:v12+s3+$0x0], $0xffff  }
0x5c: {  	v8 =	vld [tilespmem:s2+$0x30]  }
0x5d: {  	v0 =	vld.idx.msk [tilespmem:v9+s3+$0x0], $0xffff  }
0x5e: {  	v10 =	vld.idx.msk [tilespmem:v7+s3+$0x0], $0xffff  }
0x5f: {  	v12 =	vld.idx.msk [tilespmem:v4+s3+$0x0], $0xffff  }
0x60: {  	v4 =	vld.idx.msk [tilespmem:v3+s3+$0x0], $0xffff  }
0x61: {  	v3 =	vld.idx.msk [tilespmem:v2+s3+$0x0], $0xffff;
	v6 =	vadd.f32 v6, v8  }
0x62: {  	s19 =	sadd.s32 $0x80, s19;
	v2 =	vld.idx.msk [tilespmem:v1+s3+$0x0], $0xffff  }
0x63: {  	v1 =	vld.idx.msk [tilespmem:v5+s3+$0x0], $0xffff;
	[tilespmem:s19+$0x30] =	vst v6  }
0x64: {  	v5 =	vld [tilespmem:s2+$0xFFFFFFD0]  }
0x65: {  	v13 =	vld [tilespmem:s2+$0xFFFFFFE0]  }
.Ltmp2:
0x66: {  	v9 =	vld [tilespmem:s2+$0xFFFFFFF0];
	(pc) =	sbr.rel @p1 .LBB2_3-.Ltmp2, $4  }
0x67: {  	v7 =	vld [tilespmem:s2+$0x0]  }
0x68: {  	v6 =	vld [tilespmem:s2+$0x10]  }
0x69: {  	v11 =	vadd.f32 v10, v5;
	v5 =	vld [tilespmem:s2+$0x20]  }
0x6a: {  	s21 =	sadd.s32 $0x80, s21;
	v8 =	vld [tilespmem:s2+$0xFFFFFFC0];
	v10 =	vadd.f32 v12, v13  }
0x6b: {  	[tilespmem:s19+$0xFFFFFFD0] =	vst v11;
	v4 =	vadd.f32 v4, v9  }
0x6c: {  	[tilespmem:s19+$0xFFFFFFE0] =	vst v10;
	v3 =	vadd.f32 v3, v7  }
0x6d: {  	[tilespmem:s19+$0xFFFFFFF0] =	vst v4;
	v2 =	vadd.f32 v2, v6  }
0x6e: {  	[tilespmem:s19+$0x0] =	vst v3;
	v1 =	vadd.f32 v1, v5  }
0x6f: {  	s2 =	sor.u32 s15, s9;
	v0 =	vadd.f32 v0, v8;
	[tilespmem:s19+$0x10] =	vst v2  }
0x70: {  	p1 =	seq.s32 s0, $0x3;
	s2 =	sshrl.u32 s2, $0x3;
	[tilespmem:s19+$0x20] =	vst v1  }
0x71: {  	s20 =	sadd.s32 s12, s2;
	[tilespmem:s19+$0xFFFFFFC0] =	vst v0;
	s19 =	sadd.s32 @!p1 s9, s17  }
0x72: {  	[hbm4b:s20+s3] =	stream.linear.scatter [tilespmem:s25], [sflag:$0x3], $0x2000, $0x38;
	[tilespmem:$0xD000] =	vst v63  }
0x73: {  	s19 =	sshrl.u32 @!p1 s19, $0x3  }
0x74: {  	s21 =	simm.s32 @!p1 $0x0;
	s29 =	simm.s32 @!p1 $0x1000;
	s20 =	sadd.s32 @!p1 s7, s19  }
0x75: {  	[tilespmem:s29], [sflag:$0x1] =	stream.linear.gather @!p1 [hbm4b:s20+s21], $0x2000, $0x38;
	[tilespmem:$0xD000] =	vst v63  }
0x76: {  	s19 =	sadd.s32 @!p1 s4, s19;
	s20 =	simm.s32 @!p1 $0x5000  }
0x77: {  	[tilespmem:s20], [sflag:$0x1] =	stream.linear.gather @!p1 [hbm4b:s19+s21], $0x2000, $0x38;
	[tilespmem:$0xD000] =	vst v63  }
0x78: {  	_ =	swait.ge [sflag:s26], $0x2000  }
0x79: {  	[sflag:s26] =	ssyncset.done $0x0  }
0x7a: {  	[sflag:s26] =	ssyncadd.s32 $0xFFFFE000  }
0x7b: {  	_ =	swait.ge [sflag:s26], $0x2000  }
0x7c: {  	[sflag:s26] =	ssyncset.done $0x0  }
0x7d: {  	s19 =	simm.s32 @!p0 $0x4;
	[sflag:s26] =	ssyncadd.s32 $0xFFFFE000  }
0x7e: {  	_ =	swait.ge @!p0 [sflag:s19], $0x2000  }
0x7f: {  	[sflag:s19] =	ssyncset.done @!p0 $0x0  }
0x80: {  	s21 =	simm.s32 $0x3040;
	[sflag:s19] =	ssyncadd.s32 @!p0 $0xFFFFE000  }
0x81: {  	v0 =	vld [tilespmem:s21+$0x30]  }
0x82: {  	v1 =	vld [tilespmem:s21+$0xFFFFFFC0]  }
0x83: {  	v2 =	vld [tilespmem:s21+$0xFFFFFFD0]  }
0x84: {  	v3 =	vld [tilespmem:s21+$0xFFFFFFE0]  }
0x85: {  	v4 =	vld [tilespmem:s21+$0xFFFFFFF0]  }
0x86: {  	v5 =	vld [tilespmem:s21+$0x0]  }
0x87: {  	v6 =	vld [tilespmem:s21+$0x10]  }
0x88: {  	s19 =	simm.s32 $0x7040;
	v7 =	vld [tilespmem:s21+$0x20]  }
0x89: {  	v11 =	vld [tilespmem:s19+$0x30]  }
0x8a: {  	v14 =	vld [tilespmem:s19+$0xFFFFFFE0]  }
0x8b: {  	v9 =	vld [tilespmem:s19+$0xFFFFFFF0]  }
0x8c: {  	v8 =	vld [tilespmem:s19+$0x0]  }
0x8d: {  	v10 =	vld.idx.msk [tilespmem:v0+s3+$0x0], $0xffff  }
0x8e: {  	v0 =	vld.idx.msk [tilespmem:v1+s3+$0x0], $0xffff  }
0x8f: {  	v12 =	vld.idx.msk [tilespmem:v2+s3+$0x0], $0xffff  }
0x90: {  	v13 =	vld.idx.msk [tilespmem:v3+s3+$0x0], $0xffff  }
0x91: {  	v1 =	vld.idx.msk [tilespmem:v7+s3+$0x0], $0xffff  }
0x92: {  	v7 =	vld [tilespmem:s19+$0xFFFFFFD0]  }
0x93: {  	v4 =	vld.idx.msk [tilespmem:v4+s3+$0x0], $0xffff  }
0x94: {  	v3 =	vld.idx.msk [tilespmem:v5+s3+$0x0], $0xffff  }
0x95: {  	v2 =	vld.idx.msk [tilespmem:v6+s3+$0x0], $0xffff  }
0x96: {  	v6 =	vld [tilespmem:s19+$0x10];
	v10 =	vadd.f32 v10, v11  }
0x97: {  	s20 =	simm.s32 $0xB040;
	v5 =	vld [tilespmem:s19+$0x20];
	v11 =	vadd.f32 v12, v7  }
0x98: {  	s29 =	simm.s32 $0x30C0;
	s21 =	simm.s32 $0x0;
	v7 =	vld [tilespmem:s19+$0xFFFFFFC0];
	[tilespmem:s20+$0x30] =	vst v10;
	v10 =	vadd.f32 v13, v14  }
.LBB2_5:
0x99: {  	v12 =	vld [tilespmem:s29+$0x30];
	s21 =	sadd.s32 $0x8, s21;
	[tilespmem:s20+$0xFFFFFFD0] =	vst v11;
	v4 =	vadd.f32 v4, v9  }
0x9a: {  	v9 =	vld [tilespmem:s29+$0xFFFFFFC0];
	p0 =	slt.u32 s21, $0x1F8;
	[tilespmem:s20+$0xFFFFFFE0] =	vst v10;
	v3 =	vadd.f32 v3, v8  }
0x9b: {  	v8 =	vld [tilespmem:s29+$0xFFFFFFD0];
	[tilespmem:s20+$0xFFFFFFF0] =	vst v4;
	v2 =	vadd.f32 v2, v6  }
0x9c: {  	v4 =	vld [tilespmem:s29+$0xFFFFFFE0];
	[tilespmem:s20+$0x0] =	vst v3;
	v1 =	vadd.f32 v1, v5  }
0x9d: {  	v3 =	vld [tilespmem:s29+$0xFFFFFFF0];
	v0 =	vadd.f32 v0, v7;
	[tilespmem:s20+$0x10] =	vst v2  }
0x9e: {  	v2 =	vld [tilespmem:s29+$0x0];
	[tilespmem:s20+$0x20] =	vst v1  }
0x9f: {  	v1 =	vld [tilespmem:s29+$0x10];
	[tilespmem:s20+$0xFFFFFFC0] =	vst v0  }
0xa0: {  	v5 =	vld [tilespmem:s29+$0x20]  }
0xa1: {  	s19 =	sadd.s32 $0x80, s19;
	v6 =	vld.idx.msk [tilespmem:v12+s3+$0x0], $0xffff  }
0xa2: {  	v7 =	vld [tilespmem:s19+$0x30]  }
0xa3: {  	v0 =	vld.idx.msk [tilespmem:v9+s3+$0x0], $0xffff  }
0xa4: {  	v10 =	vld.idx.msk [tilespmem:v8+s3+$0x0], $0xffff  }
0xa5: {  	v12 =	vld.idx.msk [tilespmem:v4+s3+$0x0], $0xffff  }
0xa6: {  	v4 =	vld.idx.msk [tilespmem:v3+s3+$0x0], $0xffff  }
0xa7: {  	v3 =	vld.idx.msk [tilespmem:v2+s3+$0x0], $0xffff;
	v6 =	vadd.f32 v6, v7  }
0xa8: {  	s20 =	sadd.s32 $0x80, s20;
	v2 =	vld.idx.msk [tilespmem:v1+s3+$0x0], $0xffff  }
0xa9: {  	v1 =	vld.idx.msk [tilespmem:v5+s3+$0x0], $0xffff;
	[tilespmem:s20+$0x30] =	vst v6  }
0xaa: {  	v5 =	vld [tilespmem:s19+$0xFFFFFFD0]  }
0xab: {  	v13 =	vld [tilespmem:s19+$0xFFFFFFE0]  }
.Ltmp3:
0xac: {  	v9 =	vld [tilespmem:s19+$0xFFFFFFF0];
	(pc) =	sbr.rel @p0 .LBB2_5-.Ltmp3, $4  }
0xad: {  	v8 =	vld [tilespmem:s19+$0x0]  }
0xae: {  	v6 =	vld [tilespmem:s19+$0x10]  }
0xaf: {  	v11 =	vadd.f32 v10, v5;
	v5 =	vld [tilespmem:s19+$0x20]  }
0xb0: {  	s29 =	sadd.s32 $0x80, s29;
	v7 =	vld [tilespmem:s19+$0xFFFFFFC0];
	v10 =	vadd.f32 v12, v13  }
0xb1: {  	[tilespmem:s20+$0xFFFFFFD0] =	vst v11;
	v4 =	vadd.f32 v4, v9  }
0xb2: {  	[tilespmem:s20+$0xFFFFFFE0] =	vst v10;
	v3 =	vadd.f32 v3, v8  }
0xb3: {  	[tilespmem:s20+$0xFFFFFFF0] =	vst v4;
	v2 =	vadd.f32 v2, v6  }
.Ltmp4:
0xb4: {  	[tilespmem:s20+$0x0] =	vst v3;
	v1 =	vadd.f32 v1, v5;
	(pc) =	sbr.rel @p1 .LBB2_8-.Ltmp4, $4  }
0xb5: {  	v0 =	vadd.f32 v0, v7;
	[tilespmem:s20+$0x10] =	vst v2  }
0xb6: {  	s2 =	sadd.s32 s2, s12;
	[tilespmem:s20+$0x20] =	vst v1  }
0xb7: {  	s2 =	sadd.s32 $0x400, s2;
	[tilespmem:s20+$0xFFFFFFC0] =	vst v0  }
0xb8: {  	[hbm4b:s2+s3] =	stream.linear.scatter [tilespmem:s28], [sflag:$0x4], $0x2000, $0x38;
	[tilespmem:$0xD000] =	vst v63  }
0xb9: {  	s2 =	sadd.s32 s9, s18  }
.Ltmp5:
0xba: {  	s2 =	sshrl.u32 s2, $0x3;
	(pc) =	sbr.rel .LBB2_2-.Ltmp5, $4  }
0xbb: {  	s29 =	sadd.s32 s7, s2  }
0xbc: {  	[tilespmem:s22], [sflag:$0x2] =	stream.linear.gather [hbm4b:s29+s3], $0x2000, $0x38;
	[tilespmem:$0xD000] =	vst v63  }
0xbd: {  	s0 =	sadd.s32 $0x1, s0;
	s2 =	sadd.s32 s4, s2  }
0xbe: {  	[tilespmem:s23], [sflag:$0x2] =	stream.linear.gather [hbm4b:s2+s3], $0x2000, $0x38;
	[tilespmem:$0xD000] =	vst v63  }
.LBB2_8:
0xbf: {  	s0 =	simm.s32 $0x3  }
0xc0: {  	_ =	swait.ge [sflag:s0], $0x2000  }
0xc1: {  	[sflag:s0] =	ssyncset.done $0x0  }
0xc2: {  	[sflag:s0] =	ssyncadd.s32 $0xFFFFE000  }
0xc3: {  	_ =	swait.ge [sflag:s30], $0x2000  }
0xc4: {  	s9 =	simm.s32 $0x1000;
	[sflag:s30] =	ssyncset.done $0x0  }
0xc5: {  	s0 =	simm.s32 $0x0;
	s2 =	rddreg [dreg:$0x6];
	[sflag:s30] =	ssyncadd.s32 $0xFFFFE000  }
0xc6: {  	[tilespmem:s9], [sflag:$0x1] =	stream.linear.gather [hbm4b:s2+s0], $0x2000, $0x38;
	[tilespmem:$0xD000] =	vst v63  }
0xc7: {  	s20 =	simm.s32 $0x5000;
	s19 =	rddreg [dreg:$0x7]  }
0xc8: {  	[tilespmem:s20], [sflag:$0x1] =	stream.linear.gather [hbm4b:s19+s0], $0x2000, $0x38;
	[tilespmem:$0xD000] =	vst v63  }
0xc9: {  	s21 =	rddreg [dreg:$0xe]  }
0xca: {  	[tilespmem:s22], [sflag:$0x2] =	stream.linear.gather [hbm4b:s21+s0], $0x2000, $0x38;
	[tilespmem:$0xD000] =	vst v63  }
0xcb: {  	s29 =	rddreg [dreg:$0xf]  }
0xcc: {  	[tilespmem:s23], [sflag:$0x2] =	stream.linear.gather [hbm4b:s29+s0], $0x2000, $0x38;
	[tilespmem:$0xD000] =	vst v63  }
.LBB2_9:
0xcd: {  	_ =	swait.ge [sflag:s24], $0x2000  }
0xce: {  	[sflag:s24] =	ssyncset.done $0x0  }
0xcf: {  	[sflag:s24] =	ssyncadd.s32 $0xFFFFE000  }
0xd0: {  	_ =	swait.ge [sflag:s24], $0x2000  }
0xd1: {  	p0 =	seq.s32 s0, $0x0;
	[sflag:s24] =	ssyncset.done $0x0  }
0xd2: {  	s2 =	simm.s32 @!p0 $0x3;
	[sflag:s24] =	ssyncadd.s32 $0xFFFFE000  }
0xd3: {  	_ =	swait.ge @!p0 [sflag:s2], $0x2000  }
0xd4: {  	[sflag:s2] =	ssyncset.done @!p0 $0x0  }
0xd5: {  	s29 =	simm.s32 $0x1040;
	[sflag:s2] =	ssyncadd.s32 @!p0 $0xFFFFE000  }
0xd6: {  	v0 =	vld [tilespmem:s29+$0x30]  }
0xd7: {  	v1 =	vld [tilespmem:s29+$0xFFFFFFC0]  }
0xd8: {  	v2 =	vld [tilespmem:s29+$0xFFFFFFD0]  }
0xd9: {  	v3 =	vld [tilespmem:s29+$0xFFFFFFE0]  }
0xda: {  	v4 =	vld [tilespmem:s29+$0xFFFFFFF0]  }
0xdb: {  	v5 =	vld [tilespmem:s29+$0x0]  }
0xdc: {  	v6 =	vld [tilespmem:s29+$0x10]  }
0xdd: {  	s2 =	simm.s32 $0x5040;
	v7 =	vld [tilespmem:s29+$0x20]  }
0xde: {  	v10 =	vld [tilespmem:s2+$0x30]  }
0xdf: {  	v13 =	vld [tilespmem:s2+$0xFFFFFFD0]  }
0xe0: {  	v14 =	vld [tilespmem:s2+$0xFFFFFFE0]  }
0xe1: {  	v9 =	vld [tilespmem:s2+$0xFFFFFFF0]  }
0xe2: {  	v8 =	vld.idx.msk [tilespmem:v0+s3+$0x0], $0xffff  }
0xe3: {  	v0 =	vld.idx.msk [tilespmem:v1+s3+$0x0], $0xffff  }
0xe4: {  	v11 =	vld.idx.msk [tilespmem:v2+s3+$0x0], $0xffff  }
0xe5: {  	v12 =	vld.idx.msk [tilespmem:v3+s3+$0x0], $0xffff  }
0xe6: {  	v4 =	vld.idx.msk [tilespmem:v4+s3+$0x0], $0xffff  }
0xe7: {  	v3 =	vld.idx.msk [tilespmem:v5+s3+$0x0], $0xffff  }
0xe8: {  	v2 =	vld.idx.msk [tilespmem:v6+s3+$0x0], $0xffff  }
0xe9: {  	v1 =	vld.idx.msk [tilespmem:v7+s3+$0x0], $0xffff  }
0xea: {  	v7 =	vld [tilespmem:s2+$0x0]  }
0xeb: {  	v6 =	vld [tilespmem:s2+$0x10];
	v8 =	vadd.f32 v8, v10  }
0xec: {  	s19 =	simm.s32 $0x9040;
	v5 =	vld [tilespmem:s2+$0x20];
	v11 =	vadd.f32 v11, v13  }
0xed: {  	s9 =	sshll.u32 s0, $0xE;
	s20 =	simm.s32 $0x0;
	s21 =	simm.s32 $0x10C0;
	v10 =	vadd.f32 v12, v14;
	[tilespmem:s19+$0x30] =	vst v8;
	v8 =	vld [tilespmem:s2+$0xFFFFFFC0]  }
.LBB2_10:
0xee: {  	v12 =	vld [tilespmem:s21+$0x30];
	s20 =	sadd.s32 $0x8, s20;
	[tilespmem:s19+$0xFFFFFFD0] =	vst v11;
	v4 =	vadd.f32 v4, v9  }
0xef: {  	v9 =	vld [tilespmem:s21+$0xFFFFFFC0];
	p1 =	slt.u32 s20, $0x1F8;
	[tilespmem:s19+$0xFFFFFFE0] =	vst v10;
	v3 =	vadd.f32 v3, v7  }
0xf0: {  	v7 =	vld [tilespmem:s21+$0xFFFFFFD0];
	[tilespmem:s19+$0xFFFFFFF0] =	vst v4;
	v2 =	vadd.f32 v2, v6  }
0xf1: {  	v4 =	vld [tilespmem:s21+$0xFFFFFFE0];
	[tilespmem:s19+$0x0] =	vst v3;
	v1 =	vadd.f32 v1, v5  }
0xf2: {  	v3 =	vld [tilespmem:s21+$0xFFFFFFF0];
	v0 =	vadd.f32 v0, v8;
	[tilespmem:s19+$0x10] =	vst v2  }
0xf3: {  	v2 =	vld [tilespmem:s21+$0x0];
	[tilespmem:s19+$0x20] =	vst v1  }
0xf4: {  	v1 =	vld [tilespmem:s21+$0x10];
	[tilespmem:s19+$0xFFFFFFC0] =	vst v0  }
0xf5: {  	v5 =	vld [tilespmem:s21+$0x20]  }
0xf6: {  	s2 =	sadd.s32 $0x80, s2;
	v6 =	vld.idx.msk [tilespmem:v12+s3+$0x0], $0xffff  }
0xf7: {  	v8 =	vld [tilespmem:s2+$0x30]  }
0xf8: {  	v0 =	vld.idx.msk [tilespmem:v9+s3+$0x0], $0xffff  }
0xf9: {  	v10 =	vld.idx.msk [tilespmem:v7+s3+$0x0], $0xffff  }
0xfa: {  	v12 =	vld.idx.msk [tilespmem:v4+s3+$0x0], $0xffff  }
0xfb: {  	v4 =	vld.idx.msk [tilespmem:v3+s3+$0x0], $0xffff  }
0xfc: {  	v3 =	vld.idx.msk [tilespmem:v2+s3+$0x0], $0xffff;
	v6 =	vadd.f32 v6, v8  }
0xfd: {  	s19 =	sadd.s32 $0x80, s19;
	v2 =	vld.idx.msk [tilespmem:v1+s3+$0x0], $0xffff  }
0xfe: {  	v1 =	vld.idx.msk [tilespmem:v5+s3+$0x0], $0xffff;
	[tilespmem:s19+$0x30] =	vst v6  }
0xff: {  	v5 =	vld [tilespmem:s2+$0xFFFFFFD0]  }
0x100: {  	v13 =	vld [tilespmem:s2+$0xFFFFFFE0]  }
.Ltmp6:
0x101: {  	v9 =	vld [tilespmem:s2+$0xFFFFFFF0];
	(pc) =	sbr.rel @p1 .LBB2_10-.Ltmp6, $4  }
0x102: {  	v7 =	vld [tilespmem:s2+$0x0]  }
0x103: {  	v6 =	vld [tilespmem:s2+$0x10]  }
0x104: {  	v11 =	vadd.f32 v10, v5;
	v5 =	vld [tilespmem:s2+$0x20]  }
0x105: {  	s21 =	sadd.s32 $0x80, s21;
	v8 =	vld [tilespmem:s2+$0xFFFFFFC0];
	v10 =	vadd.f32 v12, v13  }
0x106: {  	[tilespmem:s19+$0xFFFFFFD0] =	vst v11;
	v4 =	vadd.f32 v4, v9  }
0x107: {  	[tilespmem:s19+$0xFFFFFFE0] =	vst v10;
	v3 =	vadd.f32 v3, v7  }
0x108: {  	[tilespmem:s19+$0xFFFFFFF0] =	vst v4;
	v2 =	vadd.f32 v2, v6  }
0x109: {  	[tilespmem:s19+$0x0] =	vst v3;
	v1 =	vadd.f32 v1, v5  }
0x10a: {  	s2 =	sor.u32 s15, s9;
	v0 =	vadd.f32 v0, v8;
	[tilespmem:s19+$0x10] =	vst v2  }
0x10b: {  	p1 =	seq.s32 s0, $0x3;
	s2 =	sshrl.u32 s2, $0x3;
	[tilespmem:s19+$0x20] =	vst v1  }
0x10c: {  	s20 =	sadd.s32 s13, s2;
	[tilespmem:s19+$0xFFFFFFC0] =	vst v0;
	s19 =	sadd.s32 @!p1 s9, s17  }
0x10d: {  	[hbm4b:s20+s3] =	stream.linear.scatter [tilespmem:s25], [sflag:$0x3], $0x2000, $0x38;
	[tilespmem:$0xD000] =	vst v63  }
0x10e: {  	s19 =	sshrl.u32 @!p1 s19, $0x3  }
0x10f: {  	s21 =	simm.s32 @!p1 $0x0;
	s29 =	simm.s32 @!p1 $0x1000;
	s20 =	sadd.s32 @!p1 s8, s19  }
0x110: {  	[tilespmem:s29], [sflag:$0x1] =	stream.linear.gather @!p1 [hbm4b:s20+s21], $0x2000, $0x38;
	[tilespmem:$0xD000] =	vst v63  }
0x111: {  	s19 =	sadd.s32 @!p1 s5, s19;
	s20 =	simm.s32 @!p1 $0x5000  }
0x112: {  	[tilespmem:s20], [sflag:$0x1] =	stream.linear.gather @!p1 [hbm4b:s19+s21], $0x2000, $0x38;
	[tilespmem:$0xD000] =	vst v63  }
0x113: {  	_ =	swait.ge [sflag:s26], $0x2000  }
0x114: {  	[sflag:s26] =	ssyncset.done $0x0  }
0x115: {  	[sflag:s26] =	ssyncadd.s32 $0xFFFFE000  }
0x116: {  	_ =	swait.ge [sflag:s26], $0x2000  }
0x117: {  	[sflag:s26] =	ssyncset.done $0x0  }
0x118: {  	s19 =	simm.s32 @!p0 $0x4;
	[sflag:s26] =	ssyncadd.s32 $0xFFFFE000  }
0x119: {  	_ =	swait.ge @!p0 [sflag:s19], $0x2000  }
0x11a: {  	[sflag:s19] =	ssyncset.done @!p0 $0x0  }
0x11b: {  	s21 =	simm.s32 $0x3040;
	[sflag:s19] =	ssyncadd.s32 @!p0 $0xFFFFE000  }
0x11c: {  	v0 =	vld [tilespmem:s21+$0x30]  }
0x11d: {  	v1 =	vld [tilespmem:s21+$0xFFFFFFC0]  }
0x11e: {  	v2 =	vld [tilespmem:s21+$0xFFFFFFD0]  }
0x11f: {  	v3 =	vld [tilespmem:s21+$0xFFFFFFE0]  }
0x120: {  	v4 =	vld [tilespmem:s21+$0xFFFFFFF0]  }
0x121: {  	v5 =	vld [tilespmem:s21+$0x0]  }
0x122: {  	v6 =	vld [tilespmem:s21+$0x10]  }
0x123: {  	s19 =	simm.s32 $0x7040;
	v7 =	vld [tilespmem:s21+$0x20]  }
0x124: {  	v11 =	vld [tilespmem:s19+$0x30]  }
0x125: {  	v14 =	vld [tilespmem:s19+$0xFFFFFFE0]  }
0x126: {  	v9 =	vld [tilespmem:s19+$0xFFFFFFF0]  }
0x127: {  	v8 =	vld [tilespmem:s19+$0x0]  }
0x128: {  	v10 =	vld.idx.msk [tilespmem:v0+s3+$0x0], $0xffff  }
0x129: {  	v0 =	vld.idx.msk [tilespmem:v1+s3+$0x0], $0xffff  }
0x12a: {  	v12 =	vld.idx.msk [tilespmem:v2+s3+$0x0], $0xffff  }
0x12b: {  	v13 =	vld.idx.msk [tilespmem:v3+s3+$0x0], $0xffff  }
0x12c: {  	v1 =	vld.idx.msk [tilespmem:v7+s3+$0x0], $0xffff  }
0x12d: {  	v7 =	vld [tilespmem:s19+$0xFFFFFFD0]  }
0x12e: {  	v4 =	vld.idx.msk [tilespmem:v4+s3+$0x0], $0xffff  }
0x12f: {  	v3 =	vld.idx.msk [tilespmem:v5+s3+$0x0], $0xffff  }
0x130: {  	v2 =	vld.idx.msk [tilespmem:v6+s3+$0x0], $0xffff  }
0x131: {  	v6 =	vld [tilespmem:s19+$0x10];
	v10 =	vadd.f32 v10, v11  }
0x132: {  	s20 =	simm.s32 $0xB040;
	v5 =	vld [tilespmem:s19+$0x20];
	v11 =	vadd.f32 v12, v7  }
0x133: {  	s29 =	simm.s32 $0x30C0;
	s21 =	simm.s32 $0x0;
	v7 =	vld [tilespmem:s19+$0xFFFFFFC0];
	[tilespmem:s20+$0x30] =	vst v10;
	v10 =	vadd.f32 v13, v14  }
.LBB2_12:
0x134: {  	v12 =	vld [tilespmem:s29+$0x30];
	s21 =	sadd.s32 $0x8, s21;
	[tilespmem:s20+$0xFFFFFFD0] =	vst v11;
	v4 =	vadd.f32 v4, v9  }
0x135: {  	v9 =	vld [tilespmem:s29+$0xFFFFFFC0];
	p0 =	slt.u32 s21, $0x1F8;
	[tilespmem:s20+$0xFFFFFFE0] =	vst v10;
	v3 =	vadd.f32 v3, v8  }
0x136: {  	v8 =	vld [tilespmem:s29+$0xFFFFFFD0];
	[tilespmem:s20+$0xFFFFFFF0] =	vst v4;
	v2 =	vadd.f32 v2, v6  }
0x137: {  	v4 =	vld [tilespmem:s29+$0xFFFFFFE0];
	[tilespmem:s20+$0x0] =	vst v3;
	v1 =	vadd.f32 v1, v5  }
0x138: {  	v3 =	vld [tilespmem:s29+$0xFFFFFFF0];
	v0 =	vadd.f32 v0, v7;
	[tilespmem:s20+$0x10] =	vst v2  }
0x139: {  	v2 =	vld [tilespmem:s29+$0x0];
	[tilespmem:s20+$0x20] =	vst v1  }
0x13a: {  	v1 =	vld [tilespmem:s29+$0x10];
	[tilespmem:s20+$0xFFFFFFC0] =	vst v0  }
0x13b: {  	v5 =	vld [tilespmem:s29+$0x20]  }
0x13c: {  	s19 =	sadd.s32 $0x80, s19;
	v6 =	vld.idx.msk [tilespmem:v12+s3+$0x0], $0xffff  }
0x13d: {  	v7 =	vld [tilespmem:s19+$0x30]  }
0x13e: {  	v0 =	vld.idx.msk [tilespmem:v9+s3+$0x0], $0xffff  }
0x13f: {  	v10 =	vld.idx.msk [tilespmem:v8+s3+$0x0], $0xffff  }
0x140: {  	v12 =	vld.idx.msk [tilespmem:v4+s3+$0x0], $0xffff  }
0x141: {  	v4 =	vld.idx.msk [tilespmem:v3+s3+$0x0], $0xffff  }
0x142: {  	v3 =	vld.idx.msk [tilespmem:v2+s3+$0x0], $0xffff;
	v6 =	vadd.f32 v6, v7  }
0x143: {  	s20 =	sadd.s32 $0x80, s20;
	v2 =	vld.idx.msk [tilespmem:v1+s3+$0x0], $0xffff  }
0x144: {  	v1 =	vld.idx.msk [tilespmem:v5+s3+$0x0], $0xffff;
	[tilespmem:s20+$0x30] =	vst v6  }
0x145: {  	v5 =	vld [tilespmem:s19+$0xFFFFFFD0]  }
0x146: {  	v13 =	vld [tilespmem:s19+$0xFFFFFFE0]  }
.Ltmp7:
0x147: {  	v9 =	vld [tilespmem:s19+$0xFFFFFFF0];
	(pc) =	sbr.rel @p0 .LBB2_12-.Ltmp7, $4  }
0x148: {  	v8 =	vld [tilespmem:s19+$0x0]  }
0x149: {  	v6 =	vld [tilespmem:s19+$0x10]  }
0x14a: {  	v11 =	vadd.f32 v10, v5;
	v5 =	vld [tilespmem:s19+$0x20]  }
0x14b: {  	s29 =	sadd.s32 $0x80, s29;
	v7 =	vld [tilespmem:s19+$0xFFFFFFC0];
	v10 =	vadd.f32 v12, v13  }
0x14c: {  	[tilespmem:s20+$0xFFFFFFD0] =	vst v11;
	v4 =	vadd.f32 v4, v9  }
0x14d: {  	[tilespmem:s20+$0xFFFFFFE0] =	vst v10;
	v3 =	vadd.f32 v3, v8  }
0x14e: {  	[tilespmem:s20+$0xFFFFFFF0] =	vst v4;
	v2 =	vadd.f32 v2, v6  }
.Ltmp8:
0x14f: {  	[tilespmem:s20+$0x0] =	vst v3;
	v1 =	vadd.f32 v1, v5;
	(pc) =	sbr.rel @p1 .LBB2_15-.Ltmp8, $4  }
0x150: {  	v0 =	vadd.f32 v0, v7;
	[tilespmem:s20+$0x10] =	vst v2  }
0x151: {  	s2 =	sadd.s32 s2, s13;
	[tilespmem:s20+$0x20] =	vst v1  }
0x152: {  	s2 =	sadd.s32 $0x400, s2;
	[tilespmem:s20+$0xFFFFFFC0] =	vst v0  }
0x153: {  	[hbm4b:s2+s3] =	stream.linear.scatter [tilespmem:s28], [sflag:$0x4], $0x2000, $0x38;
	[tilespmem:$0xD000] =	vst v63  }
0x154: {  	s2 =	sadd.s32 s9, s18  }
.Ltmp9:
0x155: {  	s2 =	sshrl.u32 s2, $0x3;
	(pc) =	sbr.rel .LBB2_9-.Ltmp9, $4  }
0x156: {  	s29 =	sadd.s32 s8, s2  }
0x157: {  	[tilespmem:s22], [sflag:$0x2] =	stream.linear.gather [hbm4b:s29+s3], $0x2000, $0x38;
	[tilespmem:$0xD000] =	vst v63  }
0x158: {  	s0 =	sadd.s32 $0x1, s0;
	s2 =	sadd.s32 s5, s2  }
0x159: {  	[tilespmem:s23], [sflag:$0x2] =	stream.linear.gather [hbm4b:s2+s3], $0x2000, $0x38;
	[tilespmem:$0xD000] =	vst v63  }
.LBB2_15:
0x15a: {  	s0 =	simm.s32 $0x3  }
0x15b: {  	_ =	swait.ge [sflag:s0], $0x2000  }
0x15c: {  	[sflag:s0] =	ssyncset.done $0x0  }
0x15d: {  	[sflag:s0] =	ssyncadd.s32 $0xFFFFE000  }
0x15e: {  	_ =	swait.ge [sflag:s30], $0x2000  }
0x15f: {  	s9 =	simm.s32 $0x1000;
	[sflag:s30] =	ssyncset.done $0x0  }
0x160: {  	s0 =	simm.s32 $0x0;
	s2 =	rddreg [dreg:$0x8];
	[sflag:s30] =	ssyncadd.s32 $0xFFFFE000  }
0x161: {  	[tilespmem:s9], [sflag:$0x1] =	stream.linear.gather [hbm4b:s2+s0], $0x2000, $0x38;
	[tilespmem:$0xD000] =	vst v63  }
0x162: {  	s20 =	simm.s32 $0x5000;
	s19 =	rddreg [dreg:$0x9]  }
0x163: {  	[tilespmem:s20], [sflag:$0x1] =	stream.linear.gather [hbm4b:s19+s0], $0x2000, $0x38;
	[tilespmem:$0xD000] =	vst v63  }
0x164: {  	s21 =	rddreg [dreg:$0x10]  }
0x165: {  	[tilespmem:s22], [sflag:$0x2] =	stream.linear.gather [hbm4b:s21+s0], $0x2000, $0x38;
	[tilespmem:$0xD000] =	vst v63  }
0x166: {  	s29 =	rddreg [dreg:$0x11]  }
0x167: {  	[tilespmem:s23], [sflag:$0x2] =	stream.linear.gather [hbm4b:s29+s0], $0x2000, $0x38;
	[tilespmem:$0xD000] =	vst v63  }
.LBB2_16:
0x168: {  	_ =	swait.ge [sflag:s24], $0x2000  }
0x169: {  	[sflag:s24] =	ssyncset.done $0x0  }
0x16a: {  	[sflag:s24] =	ssyncadd.s32 $0xFFFFE000  }
0x16b: {  	_ =	swait.ge [sflag:s24], $0x2000  }
0x16c: {  	p0 =	seq.s32 s0, $0x0;
	[sflag:s24] =	ssyncset.done $0x0  }
0x16d: {  	s2 =	simm.s32 @!p0 $0x3;
	[sflag:s24] =	ssyncadd.s32 $0xFFFFE000  }
0x16e: {  	_ =	swait.ge @!p0 [sflag:s2], $0x2000  }
0x16f: {  	[sflag:s2] =	ssyncset.done @!p0 $0x0  }
0x170: {  	s29 =	simm.s32 $0x1040;
	[sflag:s2] =	ssyncadd.s32 @!p0 $0xFFFFE000  }
0x171: {  	v0 =	vld [tilespmem:s29+$0x30]  }
0x172: {  	v1 =	vld [tilespmem:s29+$0xFFFFFFC0]  }
0x173: {  	v2 =	vld [tilespmem:s29+$0xFFFFFFD0]  }
0x174: {  	v3 =	vld [tilespmem:s29+$0xFFFFFFE0]  }
0x175: {  	v4 =	vld [tilespmem:s29+$0xFFFFFFF0]  }
0x176: {  	v5 =	vld [tilespmem:s29+$0x0]  }
0x177: {  	v6 =	vld [tilespmem:s29+$0x10]  }
0x178: {  	s2 =	simm.s32 $0x5040;
	v7 =	vld [tilespmem:s29+$0x20]  }
0x179: {  	v10 =	vld [tilespmem:s2+$0x30]  }
0x17a: {  	v13 =	vld [tilespmem:s2+$0xFFFFFFD0]  }
0x17b: {  	v14 =	vld [tilespmem:s2+$0xFFFFFFE0]  }
0x17c: {  	v9 =	vld [tilespmem:s2+$0xFFFFFFF0]  }
0x17d: {  	v8 =	vld.idx.msk [tilespmem:v0+s3+$0x0], $0xffff  }
0x17e: {  	v0 =	vld.idx.msk [tilespmem:v1+s3+$0x0], $0xffff  }
0x17f: {  	v11 =	vld.idx.msk [tilespmem:v2+s3+$0x0], $0xffff  }
0x180: {  	v12 =	vld.idx.msk [tilespmem:v3+s3+$0x0], $0xffff  }
0x181: {  	v4 =	vld.idx.msk [tilespmem:v4+s3+$0x0], $0xffff  }
0x182: {  	v3 =	vld.idx.msk [tilespmem:v5+s3+$0x0], $0xffff  }
0x183: {  	v2 =	vld.idx.msk [tilespmem:v6+s3+$0x0], $0xffff  }
0x184: {  	v1 =	vld.idx.msk [tilespmem:v7+s3+$0x0], $0xffff  }
0x185: {  	v7 =	vld [tilespmem:s2+$0x0]  }
0x186: {  	v6 =	vld [tilespmem:s2+$0x10];
	v8 =	vadd.f32 v8, v10  }
0x187: {  	s19 =	simm.s32 $0x9040;
	v5 =	vld [tilespmem:s2+$0x20];
	v11 =	vadd.f32 v11, v13  }
0x188: {  	s9 =	sshll.u32 s0, $0xE;
	s20 =	simm.s32 $0x0;
	s21 =	simm.s32 $0x10C0;
	v10 =	vadd.f32 v12, v14;
	[tilespmem:s19+$0x30] =	vst v8;
	v8 =	vld [tilespmem:s2+$0xFFFFFFC0]  }
.LBB2_17:
0x189: {  	v12 =	vld [tilespmem:s21+$0x30];
	s20 =	sadd.s32 $0x8, s20;
	[tilespmem:s19+$0xFFFFFFD0] =	vst v11;
	v4 =	vadd.f32 v4, v9  }
0x18a: {  	v9 =	vld [tilespmem:s21+$0xFFFFFFC0];
	p1 =	slt.u32 s20, $0x1F8;
	[tilespmem:s19+$0xFFFFFFE0] =	vst v10;
	v3 =	vadd.f32 v3, v7  }
0x18b: {  	v7 =	vld [tilespmem:s21+$0xFFFFFFD0];
	[tilespmem:s19+$0xFFFFFFF0] =	vst v4;
	v2 =	vadd.f32 v2, v6  }
0x18c: {  	v4 =	vld [tilespmem:s21+$0xFFFFFFE0];
	[tilespmem:s19+$0x0] =	vst v3;
	v1 =	vadd.f32 v1, v5  }
0x18d: {  	v3 =	vld [tilespmem:s21+$0xFFFFFFF0];
	v0 =	vadd.f32 v0, v8;
	[tilespmem:s19+$0x10] =	vst v2  }
0x18e: {  	v2 =	vld [tilespmem:s21+$0x0];
	[tilespmem:s19+$0x20] =	vst v1  }
0x18f: {  	v1 =	vld [tilespmem:s21+$0x10];
	[tilespmem:s19+$0xFFFFFFC0] =	vst v0  }
0x190: {  	v5 =	vld [tilespmem:s21+$0x20]  }
0x191: {  	s2 =	sadd.s32 $0x80, s2;
	v6 =	vld.idx.msk [tilespmem:v12+s3+$0x0], $0xffff  }
0x192: {  	v8 =	vld [tilespmem:s2+$0x30]  }
0x193: {  	v0 =	vld.idx.msk [tilespmem:v9+s3+$0x0], $0xffff  }
0x194: {  	v10 =	vld.idx.msk [tilespmem:v7+s3+$0x0], $0xffff  }
0x195: {  	v12 =	vld.idx.msk [tilespmem:v4+s3+$0x0], $0xffff  }
0x196: {  	v4 =	vld.idx.msk [tilespmem:v3+s3+$0x0], $0xffff  }
0x197: {  	v3 =	vld.idx.msk [tilespmem:v2+s3+$0x0], $0xffff;
	v6 =	vadd.f32 v6, v8  }
0x198: {  	s19 =	sadd.s32 $0x80, s19;
	v2 =	vld.idx.msk [tilespmem:v1+s3+$0x0], $0xffff  }
0x199: {  	v1 =	vld.idx.msk [tilespmem:v5+s3+$0x0], $0xffff;
	[tilespmem:s19+$0x30] =	vst v6  }
0x19a: {  	v5 =	vld [tilespmem:s2+$0xFFFFFFD0]  }
0x19b: {  	v13 =	vld [tilespmem:s2+$0xFFFFFFE0]  }
.Ltmp10:
0x19c: {  	v9 =	vld [tilespmem:s2+$0xFFFFFFF0];
	(pc) =	sbr.rel @p1 .LBB2_17-.Ltmp10, $4  }
0x19d: {  	v7 =	vld [tilespmem:s2+$0x0]  }
0x19e: {  	v6 =	vld [tilespmem:s2+$0x10]  }
0x19f: {  	v11 =	vadd.f32 v10, v5;
	v5 =	vld [tilespmem:s2+$0x20]  }
0x1a0: {  	s21 =	sadd.s32 $0x80, s21;
	v8 =	vld [tilespmem:s2+$0xFFFFFFC0];
	v10 =	vadd.f32 v12, v13  }
0x1a1: {  	[tilespmem:s19+$0xFFFFFFD0] =	vst v11;
	v4 =	vadd.f32 v4, v9  }
0x1a2: {  	[tilespmem:s19+$0xFFFFFFE0] =	vst v10;
	v3 =	vadd.f32 v3, v7  }
0x1a3: {  	[tilespmem:s19+$0xFFFFFFF0] =	vst v4;
	v2 =	vadd.f32 v2, v6  }
0x1a4: {  	[tilespmem:s19+$0x0] =	vst v3;
	v1 =	vadd.f32 v1, v5  }
0x1a5: {  	s2 =	sor.u32 s15, s9;
	v0 =	vadd.f32 v0, v8;
	[tilespmem:s19+$0x10] =	vst v2  }
0x1a6: {  	p1 =	seq.s32 s0, $0x3;
	s2 =	sshrl.u32 s2, $0x3;
	[tilespmem:s19+$0x20] =	vst v1  }
0x1a7: {  	s20 =	sadd.s32 s14, s2;
	[tilespmem:s19+$0xFFFFFFC0] =	vst v0;
	s19 =	sadd.s32 @!p1 s9, s17  }
0x1a8: {  	[hbm4b:s20+s3] =	stream.linear.scatter [tilespmem:s25], [sflag:$0x3], $0x2000, $0x38;
	[tilespmem:$0xD000] =	vst v63  }
0x1a9: {  	s19 =	sshrl.u32 @!p1 s19, $0x3  }
0x1aa: {  	s21 =	simm.s32 @!p1 $0x0;
	s29 =	simm.s32 @!p1 $0x1000;
	s20 =	sadd.s32 @!p1 s10, s19  }
0x1ab: {  	[tilespmem:s29], [sflag:$0x1] =	stream.linear.gather @!p1 [hbm4b:s20+s21], $0x2000, $0x38;
	[tilespmem:$0xD000] =	vst v63  }
0x1ac: {  	s19 =	sadd.s32 @!p1 s6, s19;
	s20 =	simm.s32 @!p1 $0x5000  }
0x1ad: {  	[tilespmem:s20], [sflag:$0x1] =	stream.linear.gather @!p1 [hbm4b:s19+s21], $0x2000, $0x38;
	[tilespmem:$0xD000] =	vst v63  }
0x1ae: {  	_ =	swait.ge [sflag:s26], $0x2000  }
0x1af: {  	[sflag:s26] =	ssyncset.done $0x0  }
0x1b0: {  	[sflag:s26] =	ssyncadd.s32 $0xFFFFE000  }
0x1b1: {  	_ =	swait.ge [sflag:s26], $0x2000  }
0x1b2: {  	[sflag:s26] =	ssyncset.done $0x0  }
0x1b3: {  	s19 =	simm.s32 @!p0 $0x4;
	[sflag:s26] =	ssyncadd.s32 $0xFFFFE000  }
0x1b4: {  	_ =	swait.ge @!p0 [sflag:s19], $0x2000  }
0x1b5: {  	[sflag:s19] =	ssyncset.done @!p0 $0x0  }
0x1b6: {  	s21 =	simm.s32 $0x3040;
	[sflag:s19] =	ssyncadd.s32 @!p0 $0xFFFFE000  }
0x1b7: {  	v0 =	vld [tilespmem:s21+$0x30]  }
0x1b8: {  	v1 =	vld [tilespmem:s21+$0xFFFFFFC0]  }
0x1b9: {  	v2 =	vld [tilespmem:s21+$0xFFFFFFD0]  }
0x1ba: {  	v3 =	vld [tilespmem:s21+$0xFFFFFFE0]  }
0x1bb: {  	v4 =	vld [tilespmem:s21+$0xFFFFFFF0]  }
0x1bc: {  	v5 =	vld [tilespmem:s21+$0x0]  }
0x1bd: {  	v6 =	vld [tilespmem:s21+$0x10]  }
0x1be: {  	s19 =	simm.s32 $0x7040;
	v7 =	vld [tilespmem:s21+$0x20]  }
0x1bf: {  	v11 =	vld [tilespmem:s19+$0x30]  }
0x1c0: {  	v14 =	vld [tilespmem:s19+$0xFFFFFFE0]  }
0x1c1: {  	v9 =	vld [tilespmem:s19+$0xFFFFFFF0]  }
0x1c2: {  	v8 =	vld [tilespmem:s19+$0x0]  }
0x1c3: {  	v10 =	vld.idx.msk [tilespmem:v0+s3+$0x0], $0xffff  }
0x1c4: {  	v0 =	vld.idx.msk [tilespmem:v1+s3+$0x0], $0xffff  }
0x1c5: {  	v12 =	vld.idx.msk [tilespmem:v2+s3+$0x0], $0xffff  }
0x1c6: {  	v13 =	vld.idx.msk [tilespmem:v3+s3+$0x0], $0xffff  }
0x1c7: {  	v1 =	vld.idx.msk [tilespmem:v7+s3+$0x0], $0xffff  }
0x1c8: {  	v7 =	vld [tilespmem:s19+$0xFFFFFFD0]  }
0x1c9: {  	v4 =	vld.idx.msk [tilespmem:v4+s3+$0x0], $0xffff  }
0x1ca: {  	v3 =	vld.idx.msk [tilespmem:v5+s3+$0x0], $0xffff  }
0x1cb: {  	v2 =	vld.idx.msk [tilespmem:v6+s3+$0x0], $0xffff  }
0x1cc: {  	v6 =	vld [tilespmem:s19+$0x10];
	v10 =	vadd.f32 v10, v11  }
0x1cd: {  	s20 =	simm.s32 $0xB040;
	v5 =	vld [tilespmem:s19+$0x20];
	v11 =	vadd.f32 v12, v7  }
0x1ce: {  	s29 =	simm.s32 $0x30C0;
	s21 =	simm.s32 $0x0;
	v7 =	vld [tilespmem:s19+$0xFFFFFFC0];
	[tilespmem:s20+$0x30] =	vst v10;
	v10 =	vadd.f32 v13, v14  }
.LBB2_19:
0x1cf: {  	v12 =	vld [tilespmem:s29+$0x30];
	s21 =	sadd.s32 $0x8, s21;
	[tilespmem:s20+$0xFFFFFFD0] =	vst v11;
	v4 =	vadd.f32 v4, v9  }
0x1d0: {  	v9 =	vld [tilespmem:s29+$0xFFFFFFC0];
	p0 =	slt.u32 s21, $0x1F8;
	[tilespmem:s20+$0xFFFFFFE0] =	vst v10;
	v3 =	vadd.f32 v3, v8  }
0x1d1: {  	v8 =	vld [tilespmem:s29+$0xFFFFFFD0];
	[tilespmem:s20+$0xFFFFFFF0] =	vst v4;
	v2 =	vadd.f32 v2, v6  }
0x1d2: {  	v4 =	vld [tilespmem:s29+$0xFFFFFFE0];
	[tilespmem:s20+$0x0] =	vst v3;
	v1 =	vadd.f32 v1, v5  }
0x1d3: {  	v3 =	vld [tilespmem:s29+$0xFFFFFFF0];
	v0 =	vadd.f32 v0, v7;
	[tilespmem:s20+$0x10] =	vst v2  }
0x1d4: {  	v2 =	vld [tilespmem:s29+$0x0];
	[tilespmem:s20+$0x20] =	vst v1  }
0x1d5: {  	v1 =	vld [tilespmem:s29+$0x10];
	[tilespmem:s20+$0xFFFFFFC0] =	vst v0  }
0x1d6: {  	v5 =	vld [tilespmem:s29+$0x20]  }
0x1d7: {  	s19 =	sadd.s32 $0x80, s19;
	v6 =	vld.idx.msk [tilespmem:v12+s3+$0x0], $0xffff  }
0x1d8: {  	v7 =	vld [tilespmem:s19+$0x30]  }
0x1d9: {  	v0 =	vld.idx.msk [tilespmem:v9+s3+$0x0], $0xffff  }
0x1da: {  	v10 =	vld.idx.msk [tilespmem:v8+s3+$0x0], $0xffff  }
0x1db: {  	v12 =	vld.idx.msk [tilespmem:v4+s3+$0x0], $0xffff  }
0x1dc: {  	v4 =	vld.idx.msk [tilespmem:v3+s3+$0x0], $0xffff  }
0x1dd: {  	v3 =	vld.idx.msk [tilespmem:v2+s3+$0x0], $0xffff;
	v6 =	vadd.f32 v6, v7  }
0x1de: {  	s20 =	sadd.s32 $0x80, s20;
	v2 =	vld.idx.msk [tilespmem:v1+s3+$0x0], $0xffff  }
0x1df: {  	v1 =	vld.idx.msk [tilespmem:v5+s3+$0x0], $0xffff;
	[tilespmem:s20+$0x30] =	vst v6  }
0x1e0: {  	v5 =	vld [tilespmem:s19+$0xFFFFFFD0]  }
0x1e1: {  	v13 =	vld [tilespmem:s19+$0xFFFFFFE0]  }
.Ltmp11:
0x1e2: {  	v9 =	vld [tilespmem:s19+$0xFFFFFFF0];
	(pc) =	sbr.rel @p0 .LBB2_19-.Ltmp11, $4  }
0x1e3: {  	v8 =	vld [tilespmem:s19+$0x0]  }
0x1e4: {  	v6 =	vld [tilespmem:s19+$0x10]  }
0x1e5: {  	v11 =	vadd.f32 v10, v5;
	v5 =	vld [tilespmem:s19+$0x20]  }
0x1e6: {  	s29 =	sadd.s32 $0x80, s29;
	v7 =	vld [tilespmem:s19+$0xFFFFFFC0];
	v10 =	vadd.f32 v12, v13  }
0x1e7: {  	[tilespmem:s20+$0xFFFFFFD0] =	vst v11;
	v4 =	vadd.f32 v4, v9  }
0x1e8: {  	[tilespmem:s20+$0xFFFFFFE0] =	vst v10;
	v3 =	vadd.f32 v3, v8  }
0x1e9: {  	[tilespmem:s20+$0xFFFFFFF0] =	vst v4;
	v2 =	vadd.f32 v2, v6  }
.Ltmp12:
0x1ea: {  	[tilespmem:s20+$0x0] =	vst v3;
	v1 =	vadd.f32 v1, v5;
	(pc) =	sbr.rel @p1 .LBB2_22-.Ltmp12, $4  }
0x1eb: {  	v0 =	vadd.f32 v0, v7;
	[tilespmem:s20+$0x10] =	vst v2  }
0x1ec: {  	s2 =	sadd.s32 s2, s14;
	[tilespmem:s20+$0x20] =	vst v1  }
0x1ed: {  	s2 =	sadd.s32 $0x400, s2;
	[tilespmem:s20+$0xFFFFFFC0] =	vst v0  }
0x1ee: {  	[hbm4b:s2+s3] =	stream.linear.scatter [tilespmem:s28], [sflag:$0x4], $0x2000, $0x38;
	[tilespmem:$0xD000] =	vst v63  }
0x1ef: {  	s2 =	sadd.s32 s9, s18  }
.Ltmp13:
0x1f0: {  	s2 =	sshrl.u32 s2, $0x3;
	(pc) =	sbr.rel .LBB2_16-.Ltmp13, $4  }
0x1f1: {  	s29 =	sadd.s32 s10, s2  }
0x1f2: {  	[tilespmem:s22], [sflag:$0x2] =	stream.linear.gather [hbm4b:s29+s3], $0x2000, $0x38;
	[tilespmem:$0xD000] =	vst v63  }
0x1f3: {  	s0 =	sadd.s32 $0x1, s0;
	s2 =	sadd.s32 s6, s2  }
0x1f4: {  	[tilespmem:s23], [sflag:$0x2] =	stream.linear.gather [hbm4b:s2+s3], $0x2000, $0x38;
	[tilespmem:$0xD000] =	vst v63  }
.LBB2_22:
0x1f5: {  	s0 =	simm.s32 $0x3  }
0x1f6: {  	_ =	swait.ge [sflag:s0], $0x2000  }
0x1f7: {  	[sflag:s0] =	ssyncset.done $0x0  }
0x1f8: {  	[sflag:s0] =	ssyncadd.s32 $0xFFFFE000  }
0x1f9: {  	_ =	swait.ge [sflag:s30], $0x2000  }
0x1fa: {  	s9 =	simm.s32 $0x1000;
	[sflag:s30] =	ssyncset.done $0x0  }
0x1fb: {  	s0 =	simm.s32 $0x0;
	s2 =	rddreg [dreg:$0xa];
	[sflag:s30] =	ssyncadd.s32 $0xFFFFE000  }
0x1fc: {  	[tilespmem:s9], [sflag:$0x1] =	stream.linear.gather [hbm4b:s2+s0], $0x2000, $0x38;
	[tilespmem:$0xD000] =	vst v63  }
0x1fd: {  	s20 =	simm.s32 $0x5000;
	s19 =	rddreg [dreg:$0xb]  }
0x1fe: {  	[tilespmem:s20], [sflag:$0x1] =	stream.linear.gather [hbm4b:s19+s0], $0x2000, $0x38;
	[tilespmem:$0xD000] =	vst v63  }
0x1ff: {  	s21 =	rddreg [dreg:$0x12]  }
0x200: {  	[tilespmem:s22], [sflag:$0x2] =	stream.linear.gather [hbm4b:s21+s0], $0x2000, $0x38;
	[tilespmem:$0xD000] =	vst v63  }
0x201: {  	s29 =	rddreg [dreg:$0x13]  }
0x202: {  	[tilespmem:s23], [sflag:$0x2] =	stream.linear.gather [hbm4b:s29+s0], $0x2000, $0x38;
	[tilespmem:$0xD000] =	vst v63  }
.LBB2_23:
0x203: {  	_ =	swait.ge [sflag:s24], $0x2000  }
0x204: {  	[sflag:s24] =	ssyncset.done $0x0  }
0x205: {  	[sflag:s24] =	ssyncadd.s32 $0xFFFFE000  }
0x206: {  	_ =	swait.ge [sflag:s24], $0x2000  }
0x207: {  	p0 =	seq.s32 s0, $0x0;
	[sflag:s24] =	ssyncset.done $0x0  }
0x208: {  	s2 =	simm.s32 @!p0 $0x3;
	[sflag:s24] =	ssyncadd.s32 $0xFFFFE000  }
0x209: {  	_ =	swait.ge @!p0 [sflag:s2], $0x2000  }
0x20a: {  	[sflag:s2] =	ssyncset.done @!p0 $0x0  }
0x20b: {  	s29 =	simm.s32 $0x1040;
	[sflag:s2] =	ssyncadd.s32 @!p0 $0xFFFFE000  }
0x20c: {  	v0 =	vld [tilespmem:s29+$0x30]  }
0x20d: {  	v1 =	vld [tilespmem:s29+$0xFFFFFFC0]  }
0x20e: {  	v2 =	vld [tilespmem:s29+$0xFFFFFFD0]  }
0x20f: {  	v3 =	vld [tilespmem:s29+$0xFFFFFFE0]  }
0x210: {  	v4 =	vld [tilespmem:s29+$0xFFFFFFF0]  }
0x211: {  	v5 =	vld [tilespmem:s29+$0x0]  }
0x212: {  	v6 =	vld [tilespmem:s29+$0x10]  }
0x213: {  	s2 =	simm.s32 $0x5040;
	v7 =	vld [tilespmem:s29+$0x20]  }
0x214: {  	v10 =	vld [tilespmem:s2+$0x30]  }
0x215: {  	v13 =	vld [tilespmem:s2+$0xFFFFFFD0]  }
0x216: {  	v14 =	vld [tilespmem:s2+$0xFFFFFFE0]  }
0x217: {  	v9 =	vld [tilespmem:s2+$0xFFFFFFF0]  }
0x218: {  	v8 =	vld.idx.msk [tilespmem:v0+s3+$0x0], $0xffff  }
0x219: {  	v0 =	vld.idx.msk [tilespmem:v1+s3+$0x0], $0xffff  }
0x21a: {  	v11 =	vld.idx.msk [tilespmem:v2+s3+$0x0], $0xffff  }
0x21b: {  	v12 =	vld.idx.msk [tilespmem:v3+s3+$0x0], $0xffff  }
0x21c: {  	v4 =	vld.idx.msk [tilespmem:v4+s3+$0x0], $0xffff  }
0x21d: {  	v3 =	vld.idx.msk [tilespmem:v5+s3+$0x0], $0xffff  }
0x21e: {  	v2 =	vld.idx.msk [tilespmem:v6+s3+$0x0], $0xffff  }
0x21f: {  	v1 =	vld.idx.msk [tilespmem:v7+s3+$0x0], $0xffff  }
0x220: {  	v7 =	vld [tilespmem:s2+$0x0]  }
0x221: {  	v6 =	vld [tilespmem:s2+$0x10];
	v8 =	vadd.f32 v8, v10  }
0x222: {  	s19 =	simm.s32 $0x9040;
	v5 =	vld [tilespmem:s2+$0x20];
	v11 =	vadd.f32 v11, v13  }
0x223: {  	s9 =	sshll.u32 s0, $0xE;
	s20 =	simm.s32 $0x0;
	s21 =	simm.s32 $0x10C0;
	v10 =	vadd.f32 v12, v14;
	[tilespmem:s19+$0x30] =	vst v8;
	v8 =	vld [tilespmem:s2+$0xFFFFFFC0]  }
.LBB2_24:
0x224: {  	v12 =	vld [tilespmem:s21+$0x30];
	s20 =	sadd.s32 $0x8, s20;
	[tilespmem:s19+$0xFFFFFFD0] =	vst v11;
	v4 =	vadd.f32 v4, v9  }
0x225: {  	v9 =	vld [tilespmem:s21+$0xFFFFFFC0];
	p1 =	slt.u32 s20, $0x1F8;
	[tilespmem:s19+$0xFFFFFFE0] =	vst v10;
	v3 =	vadd.f32 v3, v7  }
0x226: {  	v7 =	vld [tilespmem:s21+$0xFFFFFFD0];
	[tilespmem:s19+$0xFFFFFFF0] =	vst v4;
	v2 =	vadd.f32 v2, v6  }
0x227: {  	v4 =	vld [tilespmem:s21+$0xFFFFFFE0];
	[tilespmem:s19+$0x0] =	vst v3;
	v1 =	vadd.f32 v1, v5  }
0x228: {  	v3 =	vld [tilespmem:s21+$0xFFFFFFF0];
	v0 =	vadd.f32 v0, v8;
	[tilespmem:s19+$0x10] =	vst v2  }
0x229: {  	v2 =	vld [tilespmem:s21+$0x0];
	[tilespmem:s19+$0x20] =	vst v1  }
0x22a: {  	v1 =	vld [tilespmem:s21+$0x10];
	[tilespmem:s19+$0xFFFFFFC0] =	vst v0  }
0x22b: {  	v5 =	vld [tilespmem:s21+$0x20]  }
0x22c: {  	s2 =	sadd.s32 $0x80, s2;
	v6 =	vld.idx.msk [tilespmem:v12+s3+$0x0], $0xffff  }
0x22d: {  	v8 =	vld [tilespmem:s2+$0x30]  }
0x22e: {  	v0 =	vld.idx.msk [tilespmem:v9+s3+$0x0], $0xffff  }
0x22f: {  	v10 =	vld.idx.msk [tilespmem:v7+s3+$0x0], $0xffff  }
0x230: {  	v12 =	vld.idx.msk [tilespmem:v4+s3+$0x0], $0xffff  }
0x231: {  	v4 =	vld.idx.msk [tilespmem:v3+s3+$0x0], $0xffff  }
0x232: {  	v3 =	vld.idx.msk [tilespmem:v2+s3+$0x0], $0xffff;
	v6 =	vadd.f32 v6, v8  }
0x233: {  	s19 =	sadd.s32 $0x80, s19;
	v2 =	vld.idx.msk [tilespmem:v1+s3+$0x0], $0xffff  }
0x234: {  	v1 =	vld.idx.msk [tilespmem:v5+s3+$0x0], $0xffff;
	[tilespmem:s19+$0x30] =	vst v6  }
0x235: {  	v5 =	vld [tilespmem:s2+$0xFFFFFFD0]  }
0x236: {  	v13 =	vld [tilespmem:s2+$0xFFFFFFE0]  }
.Ltmp14:
0x237: {  	v9 =	vld [tilespmem:s2+$0xFFFFFFF0];
	(pc) =	sbr.rel @p1 .LBB2_24-.Ltmp14, $4  }
0x238: {  	v7 =	vld [tilespmem:s2+$0x0]  }
0x239: {  	v6 =	vld [tilespmem:s2+$0x10]  }
0x23a: {  	v11 =	vadd.f32 v10, v5;
	v5 =	vld [tilespmem:s2+$0x20]  }
0x23b: {  	s21 =	sadd.s32 $0x80, s21;
	v8 =	vld [tilespmem:s2+$0xFFFFFFC0];
	v10 =	vadd.f32 v12, v13  }
0x23c: {  	[tilespmem:s19+$0xFFFFFFD0] =	vst v11;
	v4 =	vadd.f32 v4, v9  }
0x23d: {  	[tilespmem:s19+$0xFFFFFFE0] =	vst v10;
	v3 =	vadd.f32 v3, v7  }
0x23e: {  	[tilespmem:s19+$0xFFFFFFF0] =	vst v4;
	v2 =	vadd.f32 v2, v6  }
0x23f: {  	[tilespmem:s19+$0x0] =	vst v3;
	v1 =	vadd.f32 v1, v5  }
0x240: {  	s2 =	sor.u32 s15, s9;
	v0 =	vadd.f32 v0, v8;
	[tilespmem:s19+$0x10] =	vst v2  }
0x241: {  	p1 =	seq.s32 s0, $0x3;
	s2 =	sshrl.u32 s2, $0x3;
	[tilespmem:s19+$0x20] =	vst v1  }
0x242: {  	s20 =	sadd.s32 s16, s2;
	[tilespmem:s19+$0xFFFFFFC0] =	vst v0;
	s19 =	sadd.s32 @!p1 s9, s17  }
0x243: {  	[hbm4b:s20+s3] =	stream.linear.scatter [tilespmem:s25], [sflag:$0x3], $0x2000, $0x38;
	[tilespmem:$0xD000] =	vst v63  }
0x244: {  	s19 =	sshrl.u32 @!p1 s19, $0x3  }
0x245: {  	s21 =	simm.s32 @!p1 $0x0;
	s29 =	simm.s32 @!p1 $0x1000;
	s20 =	sadd.s32 @!p1 s11, s19  }
0x246: {  	[tilespmem:s29], [sflag:$0x1] =	stream.linear.gather @!p1 [hbm4b:s20+s21], $0x2000, $0x38;
	[tilespmem:$0xD000] =	vst v63  }
0x247: {  	s19 =	sadd.s32 @!p1 s1, s19;
	s20 =	simm.s32 @!p1 $0x5000  }
0x248: {  	[tilespmem:s20], [sflag:$0x1] =	stream.linear.gather @!p1 [hbm4b:s19+s21], $0x2000, $0x38;
	[tilespmem:$0xD000] =	vst v63  }
0x249: {  	_ =	swait.ge [sflag:s26], $0x2000  }
0x24a: {  	[sflag:s26] =	ssyncset.done $0x0  }
0x24b: {  	[sflag:s26] =	ssyncadd.s32 $0xFFFFE000  }
0x24c: {  	_ =	swait.ge [sflag:s26], $0x2000  }
0x24d: {  	[sflag:s26] =	ssyncset.done $0x0  }
0x24e: {  	s19 =	simm.s32 @!p0 $0x4;
	[sflag:s26] =	ssyncadd.s32 $0xFFFFE000  }
0x24f: {  	_ =	swait.ge @!p0 [sflag:s19], $0x2000  }
0x250: {  	[sflag:s19] =	ssyncset.done @!p0 $0x0  }
0x251: {  	s21 =	simm.s32 $0x3040;
	[sflag:s19] =	ssyncadd.s32 @!p0 $0xFFFFE000  }
0x252: {  	v0 =	vld [tilespmem:s21+$0x30]  }
0x253: {  	v1 =	vld [tilespmem:s21+$0xFFFFFFC0]  }
0x254: {  	v2 =	vld [tilespmem:s21+$0xFFFFFFD0]  }
0x255: {  	v3 =	vld [tilespmem:s21+$0xFFFFFFE0]  }
0x256: {  	v4 =	vld [tilespmem:s21+$0xFFFFFFF0]  }
0x257: {  	v5 =	vld [tilespmem:s21+$0x0]  }
0x258: {  	v6 =	vld [tilespmem:s21+$0x10]  }
0x259: {  	s19 =	simm.s32 $0x7040;
	v7 =	vld [tilespmem:s21+$0x20]  }
0x25a: {  	v11 =	vld [tilespmem:s19+$0x30]  }
0x25b: {  	v14 =	vld [tilespmem:s19+$0xFFFFFFE0]  }
0x25c: {  	v9 =	vld [tilespmem:s19+$0xFFFFFFF0]  }
0x25d: {  	v8 =	vld [tilespmem:s19+$0x0]  }
0x25e: {  	v10 =	vld.idx.msk [tilespmem:v0+s3+$0x0], $0xffff  }
0x25f: {  	v0 =	vld.idx.msk [tilespmem:v1+s3+$0x0], $0xffff  }
0x260: {  	v12 =	vld.idx.msk [tilespmem:v2+s3+$0x0], $0xffff  }
0x261: {  	v13 =	vld.idx.msk [tilespmem:v3+s3+$0x0], $0xffff  }
0x262: {  	v1 =	vld.idx.msk [tilespmem:v7+s3+$0x0], $0xffff  }
0x263: {  	v7 =	vld [tilespmem:s19+$0xFFFFFFD0]  }
0x264: {  	v4 =	vld.idx.msk [tilespmem:v4+s3+$0x0], $0xffff  }
0x265: {  	v3 =	vld.idx.msk [tilespmem:v5+s3+$0x0], $0xffff  }
0x266: {  	v2 =	vld.idx.msk [tilespmem:v6+s3+$0x0], $0xffff  }
0x267: {  	v6 =	vld [tilespmem:s19+$0x10];
	v10 =	vadd.f32 v10, v11  }
0x268: {  	s20 =	simm.s32 $0xB040;
	v5 =	vld [tilespmem:s19+$0x20];
	v11 =	vadd.f32 v12, v7  }
0x269: {  	s29 =	simm.s32 $0x30C0;
	s21 =	simm.s32 $0x0;
	v7 =	vld [tilespmem:s19+$0xFFFFFFC0];
	[tilespmem:s20+$0x30] =	vst v10;
	v10 =	vadd.f32 v13, v14  }
.LBB2_26:
0x26a: {  	v12 =	vld [tilespmem:s29+$0x30];
	s21 =	sadd.s32 $0x8, s21;
	[tilespmem:s20+$0xFFFFFFD0] =	vst v11;
	v4 =	vadd.f32 v4, v9  }
0x26b: {  	v9 =	vld [tilespmem:s29+$0xFFFFFFC0];
	p0 =	slt.u32 s21, $0x1F8;
	[tilespmem:s20+$0xFFFFFFE0] =	vst v10;
	v3 =	vadd.f32 v3, v8  }
0x26c: {  	v8 =	vld [tilespmem:s29+$0xFFFFFFD0];
	[tilespmem:s20+$0xFFFFFFF0] =	vst v4;
	v2 =	vadd.f32 v2, v6  }
0x26d: {  	v4 =	vld [tilespmem:s29+$0xFFFFFFE0];
	[tilespmem:s20+$0x0] =	vst v3;
	v1 =	vadd.f32 v1, v5  }
0x26e: {  	v3 =	vld [tilespmem:s29+$0xFFFFFFF0];
	v0 =	vadd.f32 v0, v7;
	[tilespmem:s20+$0x10] =	vst v2  }
0x26f: {  	v2 =	vld [tilespmem:s29+$0x0];
	[tilespmem:s20+$0x20] =	vst v1  }
0x270: {  	v1 =	vld [tilespmem:s29+$0x10];
	[tilespmem:s20+$0xFFFFFFC0] =	vst v0  }
0x271: {  	v5 =	vld [tilespmem:s29+$0x20]  }
0x272: {  	s19 =	sadd.s32 $0x80, s19;
	v6 =	vld.idx.msk [tilespmem:v12+s3+$0x0], $0xffff  }
0x273: {  	v7 =	vld [tilespmem:s19+$0x30]  }
0x274: {  	v0 =	vld.idx.msk [tilespmem:v9+s3+$0x0], $0xffff  }
0x275: {  	v10 =	vld.idx.msk [tilespmem:v8+s3+$0x0], $0xffff  }
0x276: {  	v12 =	vld.idx.msk [tilespmem:v4+s3+$0x0], $0xffff  }
0x277: {  	v4 =	vld.idx.msk [tilespmem:v3+s3+$0x0], $0xffff  }
0x278: {  	v3 =	vld.idx.msk [tilespmem:v2+s3+$0x0], $0xffff;
	v6 =	vadd.f32 v6, v7  }
0x279: {  	s20 =	sadd.s32 $0x80, s20;
	v2 =	vld.idx.msk [tilespmem:v1+s3+$0x0], $0xffff  }
0x27a: {  	v1 =	vld.idx.msk [tilespmem:v5+s3+$0x0], $0xffff;
	[tilespmem:s20+$0x30] =	vst v6  }
0x27b: {  	v5 =	vld [tilespmem:s19+$0xFFFFFFD0]  }
0x27c: {  	v13 =	vld [tilespmem:s19+$0xFFFFFFE0]  }
.Ltmp15:
0x27d: {  	v9 =	vld [tilespmem:s19+$0xFFFFFFF0];
	(pc) =	sbr.rel @p0 .LBB2_26-.Ltmp15, $4  }
0x27e: {  	v8 =	vld [tilespmem:s19+$0x0]  }
0x27f: {  	v6 =	vld [tilespmem:s19+$0x10]  }
0x280: {  	v11 =	vadd.f32 v10, v5;
	v5 =	vld [tilespmem:s19+$0x20]  }
0x281: {  	s29 =	sadd.s32 $0x80, s29;
	v7 =	vld [tilespmem:s19+$0xFFFFFFC0];
	v10 =	vadd.f32 v12, v13  }
0x282: {  	[tilespmem:s20+$0xFFFFFFD0] =	vst v11;
	v4 =	vadd.f32 v4, v9  }
0x283: {  	[tilespmem:s20+$0xFFFFFFE0] =	vst v10;
	v3 =	vadd.f32 v3, v8  }
0x284: {  	[tilespmem:s20+$0xFFFFFFF0] =	vst v4;
	v2 =	vadd.f32 v2, v6  }
.Ltmp16:
0x285: {  	[tilespmem:s20+$0x0] =	vst v3;
	v1 =	vadd.f32 v1, v5;
	(pc) =	sbr.rel @p1 .LBB2_29-.Ltmp16, $4  }
0x286: {  	v0 =	vadd.f32 v0, v7;
	[tilespmem:s20+$0x10] =	vst v2  }
0x287: {  	s2 =	sadd.s32 s2, s16;
	[tilespmem:s20+$0x20] =	vst v1  }
0x288: {  	s2 =	sadd.s32 $0x400, s2;
	[tilespmem:s20+$0xFFFFFFC0] =	vst v0  }
0x289: {  	[hbm4b:s2+s3] =	stream.linear.scatter [tilespmem:s28], [sflag:$0x4], $0x2000, $0x38;
	[tilespmem:$0xD000] =	vst v63  }
0x28a: {  	s2 =	sadd.s32 s9, s18  }
.Ltmp17:
0x28b: {  	s2 =	sshrl.u32 s2, $0x3;
	(pc) =	sbr.rel .LBB2_23-.Ltmp17, $4  }
0x28c: {  	s29 =	sadd.s32 s11, s2  }
0x28d: {  	[tilespmem:s22], [sflag:$0x2] =	stream.linear.gather [hbm4b:s29+s3], $0x2000, $0x38;
	[tilespmem:$0xD000] =	vst v63  }
0x28e: {  	s0 =	sadd.s32 $0x1, s0;
	s2 =	sadd.s32 s1, s2  }
0x28f: {  	[tilespmem:s23], [sflag:$0x2] =	stream.linear.gather [hbm4b:s2+s3], $0x2000, $0x38;
	[tilespmem:$0xD000] =	vst v63  }
.LBB2_30:
0x290: {  	_ =	sfence.sel $0x180000  }
0x291: {  	[bflag:$0x0] =	sbarrier.arrive $0xFFFF  }
0x292: {  	_ =	strace $0x90000047  }
0x293: {  	s0 =	stileid.u32;
	[bflag:$0x2] =	sbarrier.arrive $0xFFFF  }
0x294: {  	p0 =	sne.s32 s0, $0x0;
	s0 =	rddreg [dreg:$0x3]  }
0x295: {  	s0 =	sadd.s32 @!p0 $0x100000, s0  }
0x296: {  	[sflag:s0] =	ssyncadd.tile.s32 @!p0 $0x1;
	_ =	shalt  }
.Lfunc_end2:
_tile_overlayer_lowered:
.L_overlay_start_2:
0x297: {  	(tag) =	ssettag $0x2  }
0x298: {  	s0 =	rddreg [dreg:$0x0];
	s2 =	stileid.u32  }
0x299: {  	s1 =	rddreg [dreg:$0x1];
	p0 =	sne.s32 s2, $0x0  }
0x29a: {  	s3 =	rddreg [dreg:$0x2];
	[bflag:$0x3] =	sbarrier.arrive $0xFFFF;
	s2 =	simm.s32 @!p0 $0x1C05  }
0x29b: {  	[timem:s3], [sflag:s2] =	dma.local @!p0 [hbm:s0], s1  }
0x29c: {  	s0 =	simm.s32 @!p0 $0x5  }
0x29d: {  	_ =	swait.ge @!p0 [sflag:s0], s1  }
0x29e: {  	s1 =	ssub.s32 @!p0 $0x0, s1;
	[sflag:s0] =	ssyncset.done @!p0 $0x0  }
0x29f: {  	[sflag:s0] =	ssyncadd.s32 @!p0 s1  }
0x2a0: {  	[bflag:$0x3] =	sbarrier.arrive $0xFFFF  }
0x2a1: {  	_ =	shalt  }

</sc_bundles>
